<compile_context>
chip_gen: v7x
topology: tpu7x:2x2x1
jax: 0.10.2.dev20260603
libtpu: 0.0.44.dev20260713+nightly
codegen_flags: <defaults>
</compile_context>

<pallas_src>
import functools

import jax
import jax.numpy as jnp
from jax import lax
from jax.experimental import pallas as pl
from jax.experimental.pallas import tpu as pltpu
from jax.experimental.pallas import tpu_sc as plsc

MOM = 0.1
EPS = 1e-12

NC = 2
NS = 16
NW = NC * NS
CHUNK = 128


def _sc_mesh():
    return plsc.VectorSubcoreMesh(
        core_axis_name="c", subcore_axis_name="s",
        num_cores=NC, num_subcores=NS)


def _make_gather(B, N, D):
    rows_per_tile = B // NW
    n_chunks = rows_per_tile // CHUNK

    @functools.partial(
        pl.kernel,
        out_type=(jax.ShapeDtypeStruct((B, D), jnp.float32),
                  jax.ShapeDtypeStruct((B, D), jnp.float32)),
        mesh=_sc_mesh(),
        scratch_types=[
            pltpu.VMEM((n_chunks, CHUNK), jnp.int32),
            pltpu.VMEM((n_chunks, CHUNK), jnp.int32),
            pltpu.VMEM((rows_per_tile, D), jnp.float32),
            pltpu.SemaphoreType.DMA,
        ],
    )
    def gather_k(inputs_hbm, feats_hbm, order_hbm, st_hbm,
                 sx_out, c0_out, o_idx, s_idx, rows, sem):
        wid = lax.axis_index("s") * NC + lax.axis_index("c")
        rbase = wid * n_chunks
        pltpu.sync_copy(order_hbm.at[pl.ds(rbase, n_chunks)], o_idx)
        pltpu.sync_copy(st_hbm.at[pl.ds(rbase, n_chunks)], s_idx)
        cps = [pltpu.async_copy(
                   inputs_hbm.at[o_idx.at[j]],
                   rows.at[pl.ds(j * CHUNK, CHUNK)], sem)
               for j in range(n_chunks)]
        for cp in cps:
            cp.wait()
        pltpu.sync_copy(rows, sx_out.at[pl.ds(wid * rows_per_tile,
                                              rows_per_tile)])
        cps = [pltpu.async_copy(
                   feats_hbm.at[s_idx.at[j]],
                   rows.at[pl.ds(j * CHUNK, CHUNK)], sem)
               for j in range(n_chunks)]
        for cp in cps:
            cp.wait()
        pltpu.sync_copy(rows, c0_out.at[pl.ds(wid * rows_per_tile,
                                              rows_per_tile)])

    return gather_k


def _make_scatter(B, N, D):
    rows_per_tile = B // NW
    n_chunks = rows_per_tile // CHUNK

    @functools.partial(
        pl.kernel,
        out_type=(),
        mesh=_sc_mesh(),
        scratch_types=[
            pltpu.VMEM((n_chunks, CHUNK), jnp.int32),
            pltpu.VMEM((n_chunks, CHUNK), jnp.int32),
            pltpu.VMEM((rows_per_tile, D), jnp.float32),
            pltpu.SemaphoreType.DMA,
        ],
    )
    def scatter_k(w_hbm, e_hbm, st_hbm, table_ref, e_idx, s_idx, rows, sem):
        wid = lax.axis_index("s") * NC + lax.axis_index("c")
        rbase = wid * n_chunks
        pltpu.sync_copy(e_hbm.at[pl.ds(rbase, n_chunks)], e_idx)
        pltpu.sync_copy(st_hbm.at[pl.ds(rbase, n_chunks)], s_idx)
        cps = [pltpu.async_copy(
                   w_hbm.at[e_idx.at[j]],
                   rows.at[pl.ds(j * CHUNK, CHUNK)], sem)
               for j in range(n_chunks)]
        for cp in cps:
            cp.wait()
        cps = [pltpu.async_copy(
                   rows.at[pl.ds(j * CHUNK, CHUNK)],
                   table_ref.at[s_idx.at[j]], sem)
               for j in range(n_chunks)]
        for cp in cps:
            cp.wait()

    return scatter_k


def _rounds_body(K_ref, m0_ref, sx_ref, c0_ref, w_ref, base_ref, carry_ref):
    B, D = sx_ref.shape
    RB = 8192
    nb = B // RB
    base_ref[...] = jnp.where(
        m0_ref[...] > 0.5,
        MOM * c0_ref[...] + (1.0 - MOM) * sx_ref[...],
        (1.0 - MOM) * sx_ref[...])

    def round_fn(r, _):
        def tile_fn(t, _):
            sl = pl.ds(t * RB, RB)
            wsh = jnp.concatenate(
                [carry_ref[...], w_ref[pl.ds(t * RB, RB - 1)]], axis=0)
            carry_ref[...] = w_ref[pl.ds(t * RB + RB - 1, 1)]
            b = base_ref[sl]
            u = jnp.where(m0_ref[sl] > 0.5, b, b + MOM * wsh)
            n = jnp.sqrt(jnp.sum(u * u, axis=1, keepdims=True))
            w_ref[sl] = u / jnp.maximum(n, EPS)
            return 0

        return lax.fori_loop(0, nb, tile_fn, 0)

    lax.fori_loop(0, K_ref[0], round_fn, 0)


def kernel(inputs, targets, features):
    B, D = inputs.shape
    N = features.shape[0]

    t32 = targets.astype(jnp.int32)
    idx = jnp.arange(B, dtype=jnp.int32)
    skey = jnp.sort((t32 << 14) | idx)
    order = skey & (B - 1)
    st = skey >> 14
    diff = st[1:] != st[:-1]
    change = jnp.concatenate([jnp.ones((1,), bool), diff])
    start = lax.cummax(jnp.where(change, idx, 0))
    rank = idx - start
    is_last = jnp.concatenate([diff, jnp.ones((1,), bool)])
    e = lax.cummin(jnp.where(is_last, idx, B), reverse=True).astype(jnp.int32)
    K = jnp.max(rank) + 1
    m0 = (rank == 0).astype(jnp.float32)[:, None]

    order2d = order.reshape(B // CHUNK, CHUNK)
    st2d = st.reshape(B // CHUNK, CHUNK)
    e2d = e.reshape(B // CHUNK, CHUNK)

    sx, c0 = _make_gather(B, N, D)(inputs, features, order2d, st2d)

    vspec = pl.BlockSpec(memory_space=pltpu.VMEM)
    w = pl.pallas_call(
        _rounds_body,
        in_specs=[pl.BlockSpec(memory_space=pltpu.SMEM),
                  vspec, vspec, vspec],
        out_specs=vspec,
        out_shape=jax.ShapeDtypeStruct((B, D), jnp.float32),
        scratch_shapes=[pltpu.VMEM((B, D), jnp.float32),
                        pltpu.VMEM((1, D), jnp.float32)],
    )(jnp.reshape(K, (1,)), m0, sx, c0)

    table = jax.new_ref(features)
    _make_scatter(B, N, D)(w, e2d, st2d, table)
    return table[...]

# --- scband reference (transcript-rebuilt; emitter-appended) ---
"""Pipeline reference for scband-memory-bank-89489938580008 (READ-ONLY COPY).

The authoritative reference and input builder live on the scoring server;
editing this copy changes nothing except your own understanding.
"""

import jax, jax.numpy as jnp
import numpy as np

NUM_FEATURES = 128
NUM_SAMPLES = 100000
BATCH = 16384
MOMENTUM = 0.1
EPS = 1e-12


def setup_inputs(seed: int = 0) -> dict:
    key = jax.random.key(seed)
    k1, k2 = jax.random.split(key)
    inputs = jax.random.normal(k1, (BATCH, NUM_FEATURES), dtype=jnp.float32)
    targets = jax.random.randint(k2, (BATCH,), 0, NUM_SAMPLES, dtype=jnp.int64 if jax.config.jax_enable_x64 else jnp.int32)
    # buffer 'features' is registered as zeros in the torch module
    features = jnp.zeros((NUM_SAMPLES, NUM_FEATURES), dtype=jnp.float32)
    return {"inputs": inputs, "targets": targets, "features": features}


def reference(inputs, targets, features):
    # Faithful sequential momentum update: each (x, y) pair reads the
    # possibly-already-updated row y, mixes with momentum, renormalizes,
    # and scatters the result back (duplicates in targets chain updates).
    def step(feats, xy):
        x, y = xy
        current = feats[y]
        updated = MOMENTUM * current + (1.0 - MOMENTUM) * x
        norm = jnp.maximum(jnp.linalg.norm(updated), EPS)
        feats = feats.at[y].set(updated / norm)
        return feats, None

    feats, _ = jax.lax.scan(step, features, (inputs, targets))
    return feats

if __name__ == "__main__":
    import jax
    _d = setup_inputs()
    print(jax.jit(kernel)(*tuple(_d.values())))

</pallas_src>

<mosaic_0001>
#map = affine_map<(d0, d1) -> (0, 0)>
module attributes {stable_mosaic.version = 14 : i64} {
  func.func @gather_k(%arg0: i32, %arg1: i32, %arg2: memref<16384x128xf32, #tpu.memory_space<hbm>>, %arg3: memref<100000x128xf32, #tpu.memory_space<hbm>>, %arg4: memref<128x128xi32, #tpu.memory_space<hbm>>, %arg5: memref<128x128xi32, #tpu.memory_space<hbm>>, %arg6: memref<16384x128xf32, #tpu.memory_space<hbm>>, %arg7: memref<16384x128xf32, #tpu.memory_space<hbm>>, %arg8: memref<4x128xi32, #tpu.memory_space<vmem>>, %arg9: memref<4x128xi32, #tpu.memory_space<vmem>>, %arg10: memref<512x128xf32, #tpu.memory_space<vmem>>, %arg11: memref<!tpu.dma_semaphore, #tpu.memory_space<semaphore_mem>>) attributes {dimension_semantics = [#tpu.dimension_semantics<core_parallel>, #tpu.dimension_semantics<subcore_parallel>], iteration_bounds = array<i64: 2, 16>, scalar_prefetch = 0 : i64, scratch_operands = 4 : i64, tpu.core_type = #tpu.core_type<sc_vector_subcore>, window_params = [{transform_indices = #map}, {transform_indices = #map}, {transform_indices = #map}, {transform_indices = #map}, {transform_indices = #map}, {transform_indices = #map}]} {
    %mul3A = arith.constant 2 : i32
    %mul3A_0 = arith.muli %arg1, %mul3A : i32
    %add3A = arith.addi %mul3A_0, %arg0 : i32
    %mul3A_1 = arith.constant 4 : i32
    %mul3A_2 = arith.muli %add3A, %mul3A_1 : i32
    "tpu.region"() ({
      %run_scoped3A = tpu.sem_alloc : memref<!tpu.dma_semaphore, #tpu.memory_space<semaphore_mem>>
      %dma_start3A_165 = arith.constant 0 : i32
      %dma_start3A_166 = tpu.memref_slice %arg4[%mul3A_2, %dma_start3A_165] : memref<128x128xi32, #tpu.memory_space<hbm>> -> memref<4x128xi32, #tpu.memory_space<hbm>>
      %dma_start3A_167 = arith.constant 0 : i32
      %dma_start3A_168 = tpu.memref_slice %arg4[%mul3A_2, %dma_start3A_167] : memref<128x128xi32, #tpu.memory_space<hbm>> -> memref<4x128xi32, #tpu.memory_space<hbm>>
      tpu.enqueue_dma source(%dma_start3A_168 : memref<4x128xi32, #tpu.memory_space<hbm>>) target(%arg8 : memref<4x128xi32, #tpu.memory_space<vmem>>) target_semaphore(%run_scoped3A : memref<!tpu.dma_semaphore, #tpu.memory_space<semaphore_mem>>)
      %dma_wait3A_169 = arith.constant 0 : i32
      %dma_wait3A_170 = tpu.memref_slice %arg4[%mul3A_2, %dma_wait3A_169] : memref<128x128xi32, #tpu.memory_space<hbm>> -> memref<4x128xi32, #tpu.memory_space<hbm>>
      %dma_wait3A_171 = arith.constant 0 : i32
      %dma_wait3A_172 = tpu.memref_slice %arg4[%mul3A_2, %dma_wait3A_171] : memref<128x128xi32, #tpu.memory_space<hbm>> -> memref<4x128xi32, #tpu.memory_space<hbm>>
      tpu.wait_dma2 semaphore(%run_scoped3A : memref<!tpu.dma_semaphore, #tpu.memory_space<semaphore_mem>>) src(%dma_wait3A_172 : memref<4x128xi32, #tpu.memory_space<hbm>>) dst(%arg8 : memref<4x128xi32, #tpu.memory_space<vmem>>)
      tpu.yield
    }) : () -> ()
    "tpu.region"() ({
      %run_scoped3A = tpu.sem_alloc : memref<!tpu.dma_semaphore, #tpu.memory_space<semaphore_mem>>
      %dma_start3A_165 = arith.constant 0 : i32
      %dma_start3A_166 = tpu.memref_slice %arg5[%mul3A_2, %dma_start3A_165] : memref<128x128xi32, #tpu.memory_space<hbm>> -> memref<4x128xi32, #tpu.memory_space<hbm>>
      %dma_start3A_167 = arith.constant 0 : i32
      %dma_start3A_168 = tpu.memref_slice %arg5[%mul3A_2, %dma_start3A_167] : memref<128x128xi32, #tpu.memory_space<hbm>> -> memref<4x128xi32, #tpu.memory_space<hbm>>
      tpu.enqueue_dma source(%dma_start3A_168 : memref<4x128xi32, #tpu.memory_space<hbm>>) target(%arg9 : memref<4x128xi32, #tpu.memory_space<vmem>>) target_semaphore(%run_scoped3A : memref<!tpu.dma_semaphore, #tpu.memory_space<semaphore_mem>>)
      %dma_wait3A_169 = arith.constant 0 : i32
      %dma_wait3A_170 = tpu.memref_slice %arg5[%mul3A_2, %dma_wait3A_169] : memref<128x128xi32, #tpu.memory_space<hbm>> -> memref<4x128xi32, #tpu.memory_space<hbm>>
      %dma_wait3A_171 = arith.constant 0 : i32
      %dma_wait3A_172 = tpu.memref_slice %arg5[%mul3A_2, %dma_wait3A_171] : memref<128x128xi32, #tpu.memory_space<hbm>> -> memref<4x128xi32, #tpu.memory_space<hbm>>
      tpu.wait_dma2 semaphore(%run_scoped3A : memref<!tpu.dma_semaphore, #tpu.memory_space<semaphore_mem>>) src(%dma_wait3A_172 : memref<4x128xi32, #tpu.memory_space<hbm>>) dst(%arg9 : memref<4x128xi32, #tpu.memory_space<vmem>>)
      tpu.yield
    }) : () -> ()
    %dma_start3A = arith.constant 0 : i32
    %dma_start3A_3 = arith.constant 0 : i32
    %dma_start3A_4 = arith.constant 0 : i32
    %dma_start3A_5 = tpu.memref_slice %arg10[%dma_start3A_3, %dma_start3A_4] : memref<512x128xf32, #tpu.memory_space<vmem>> -> memref<128x128xf32, #tpu.memory_space<vmem>>
    %dma_start3A_6 = arith.constant 0 : i32
    %dma_start3A_7 = tpu.memref_slice %arg8[%dma_start3A, %dma_start3A_6] : memref<4x128xi32, #tpu.memory_space<vmem>> -> memref<1x128xi32, #tpu.memory_space<vmem>>
    %dma_start3A_8 = tpu.memref_squeeze %dma_start3A_7 : memref<1x128xi32, #tpu.memory_space<vmem>> -> memref<128xi32, #tpu.memory_space<vmem>>
    %dma_start3A_9 = arith.constant 0 : i32
    %dma_start3A_10 = arith.constant 0 : i32
    %dma_start3A_11 = tpu.memref_slice %arg2[%dma_start3A_9, %dma_start3A_10] : memref<16384x128xf32, #tpu.memory_space<hbm>> -> memref<16384x128xf32, #tpu.memory_space<hbm>>
    tpu.enqueue_indirect_dma source(%dma_start3A_11 : memref<16384x128xf32, #tpu.memory_space<hbm>>) target(%dma_start3A_5 : memref<128x128xf32, #tpu.memory_space<vmem>>) offsets(%dma_start3A_8 : memref<128xi32, #tpu.memory_space<vmem>>) semaphore(%arg11 : memref<!tpu.dma_semaphore, #tpu.memory_space<semaphore_mem>>)
    %dma_start3A_12 = arith.constant 1 : i32
    %dma_start3A_13 = arith.constant 128 : i32
    %dma_start3A_14 = arith.constant 0 : i32
    %dma_start3A_15 = tpu.memref_slice %arg10[%dma_start3A_13, %dma_start3A_14] : memref<512x128xf32, #tpu.memory_space<vmem>> -> memref<128x128xf32, #tpu.memory_space<vmem>>
    %dma_start3A_16 = arith.constant 0 : i32
    %dma_start3A_17 = tpu.memref_slice %arg8[%dma_start3A_12, %dma_start3A_16] : memref<4x128xi32, #tpu.memory_space<vmem>> -> memref<1x128xi32, #tpu.memory_space<vmem>>
    %dma_start3A_18 = tpu.memref_squeeze %dma_start3A_17 : memref<1x128xi32, #tpu.memory_space<vmem>> -> memref<128xi32, #tpu.memory_space<vmem>>
    %dma_start3A_19 = arith.constant 0 : i32
    %dma_start3A_20 = arith.constant 0 : i32
    %dma_start3A_21 = tpu.memref_slice %arg2[%dma_start3A_19, %dma_start3A_20] : memref<16384x128xf32, #tpu.memory_space<hbm>> -> memref<16384x128xf32, #tpu.memory_space<hbm>>
    tpu.enqueue_indirect_dma source(%dma_start3A_21 : memref<16384x128xf32, #tpu.memory_space<hbm>>) target(%dma_start3A_15 : memref<128x128xf32, #tpu.memory_space<vmem>>) offsets(%dma_start3A_18 : memref<128xi32, #tpu.memory_space<vmem>>) semaphore(%arg11 : memref<!tpu.dma_semaphore, #tpu.memory_space<semaphore_mem>>)
    %dma_start3A_22 = arith.constant 2 : i32
    %dma_start3A_23 = arith.constant 256 : i32
    %dma_start3A_24 = arith.constant 0 : i32
    %dma_start3A_25 = tpu.memref_slice %arg10[%dma_start3A_23, %dma_start3A_24] : memref<512x128xf32, #tpu.memory_space<vmem>> -> memref<128x128xf32, #tpu.memory_space<vmem>>
    %dma_start3A_26 = arith.constant 0 : i32
    %dma_start3A_27 = tpu.memref_slice %arg8[%dma_start3A_22, %dma_start3A_26] : memref<4x128xi32, #tpu.memory_space<vmem>> -> memref<1x128xi32, #tpu.memory_space<vmem>>
    %dma_start3A_28 = tpu.memref_squeeze %dma_start3A_27 : memref<1x128xi32, #tpu.memory_space<vmem>> -> memref<128xi32, #tpu.memory_space<vmem>>
    %dma_start3A_29 = arith.constant 0 : i32
    %dma_start3A_30 = arith.constant 0 : i32
    %dma_start3A_31 = tpu.memref_slice %arg2[%dma_start3A_29, %dma_start3A_30] : memref<16384x128xf32, #tpu.memory_space<hbm>> -> memref<16384x128xf32, #tpu.memory_space<hbm>>
    tpu.enqueue_indirect_dma source(%dma_start3A_31 : memref<16384x128xf32, #tpu.memory_space<hbm>>) target(%dma_start3A_25 : memref<128x128xf32, #tpu.memory_space<vmem>>) offsets(%dma_start3A_28 : memref<128xi32, #tpu.memory_space<vmem>>) semaphore(%arg11 : memref<!tpu.dma_semaphore, #tpu.memory_space<semaphore_mem>>)
    %dma_start3A_32 = arith.constant 3 : i32
    %dma_start3A_33 = arith.constant 384 : i32
    %dma_start3A_34 = arith.constant 0 : i32
    %dma_start3A_35 = tpu.memref_slice %arg10[%dma_start3A_33, %dma_start3A_34] : memref<512x128xf32, #tpu.memory_space<vmem>> -> memref<128x128xf32, #tpu.memory_space<vmem>>
    %dma_start3A_36 = arith.constant 0 : i32
    %dma_start3A_37 = tpu.memref_slice %arg8[%dma_start3A_32, %dma_start3A_36] : memref<4x128xi32, #tpu.memory_space<vmem>> -> memref<1x128xi32, #tpu.memory_space<vmem>>
    %dma_start3A_38 = tpu.memref_squeeze %dma_start3A_37 : memref<1x128xi32, #tpu.memory_space<vmem>> -> memref<128xi32, #tpu.memory_space<vmem>>
    %dma_start3A_39 = arith.constant 0 : i32
    %dma_start3A_40 = arith.constant 0 : i32
    %dma_start3A_41 = tpu.memref_slice %arg2[%dma_start3A_39, %dma_start3A_40] : memref<16384x128xf32, #tpu.memory_space<hbm>> -> memref<16384x128xf32, #tpu.memory_space<hbm>>
    tpu.enqueue_indirect_dma source(%dma_start3A_41 : memref<16384x128xf32, #tpu.memory_space<hbm>>) target(%dma_start3A_35 : memref<128x128xf32, #tpu.memory_space<vmem>>) offsets(%dma_start3A_38 : memref<128xi32, #tpu.memory_space<vmem>>) semaphore(%arg11 : memref<!tpu.dma_semaphore, #tpu.memory_space<semaphore_mem>>)
    %dma_wait3A = arith.constant 0 : i32
    %dma_wait3A_42 = arith.constant 0 : i32
    %dma_wait3A_43 = arith.constant 0 : i32
    %dma_wait3A_44 = tpu.memref_slice %arg10[%dma_wait3A_42, %dma_wait3A_43] : memref<512x128xf32, #tpu.memory_space<vmem>> -> memref<128x128xf32, #tpu.memory_space<vmem>>
    %dma_wait3A_45 = arith.constant 0 : i32
    %dma_wait3A_46 = tpu.memref_slice %arg8[%dma_wait3A, %dma_wait3A_45] : memref<4x128xi32, #tpu.memory_space<vmem>> -> memref<1x128xi32, #tpu.memory_space<vmem>>
    %dma_wait3A_47 = tpu.memref_squeeze %dma_wait3A_46 : memref<1x128xi32, #tpu.memory_space<vmem>> -> memref<128xi32, #tpu.memory_space<vmem>>
    %dma_wait3A_48 = arith.constant 0 : i32
    %dma_wait3A_49 = arith.constant 0 : i32
    %dma_wait3A_50 = tpu.memref_slice %arg2[%dma_wait3A_48, %dma_wait3A_49] : memref<16384x128xf32, #tpu.memory_space<hbm>> -> memref<16384x128xf32, #tpu.memory_space<hbm>>
    tpu.wait_indirect_dma semaphore(%arg11 : memref<!tpu.dma_semaphore, #tpu.memory_space<semaphore_mem>>) src(%dma_wait3A_50 : memref<16384x128xf32, #tpu.memory_space<hbm>>) dst(%dma_wait3A_44 : memref<128x128xf32, #tpu.memory_space<vmem>>)
    %dma_wait3A_51 = arith.constant 1 : i32
    %dma_wait3A_52 = arith.constant 128 : i32
    %dma_wait3A_53 = arith.constant 0 : i32
    %dma_wait3A_54 = tpu.memref_slice %arg10[%dma_wait3A_52, %dma_wait3A_53] : memref<512x128xf32, #tpu.memory_space<vmem>> -> memref<128x128xf32, #tpu.memory_space<vmem>>
    %dma_wait3A_55 = arith.constant 0 : i32
    %dma_wait3A_56 = tpu.memref_slice %arg8[%dma_wait3A_51, %dma_wait3A_55] : memref<4x128xi32, #tpu.memory_space<vmem>> -> memref<1x128xi32, #tpu.memory_space<vmem>>
    %dma_wait3A_57 = tpu.memref_squeeze %dma_wait3A_56 : memref<1x128xi32, #tpu.memory_space<vmem>> -> memref<128xi32, #tpu.memory_space<vmem>>
    %dma_wait3A_58 = arith.constant 0 : i32
    %dma_wait3A_59 = arith.constant 0 : i32
    %dma_wait3A_60 = tpu.memref_slice %arg2[%dma_wait3A_58, %dma_wait3A_59] : memref<16384x128xf32, #tpu.memory_space<hbm>> -> memref<16384x128xf32, #tpu.memory_space<hbm>>
    tpu.wait_indirect_dma semaphore(%arg11 : memref<!tpu.dma_semaphore, #tpu.memory_space<semaphore_mem>>) src(%dma_wait3A_60 : memref<16384x128xf32, #tpu.memory_space<hbm>>) dst(%dma_wait3A_54 : memref<128x128xf32, #tpu.memory_space<vmem>>)
    %dma_wait3A_61 = arith.constant 2 : i32
    %dma_wait3A_62 = arith.constant 256 : i32
    %dma_wait3A_63 = arith.constant 0 : i32
    %dma_wait3A_64 = tpu.memref_slice %arg10[%dma_wait3A_62, %dma_wait3A_63] : memref<512x128xf32, #tpu.memory_space<vmem>> -> memref<128x128xf32, #tpu.memory_space<vmem>>
    %dma_wait3A_65 = arith.constant 0 : i32
    %dma_wait3A_66 = tpu.memref_slice %arg8[%dma_wait3A_61, %dma_wait3A_65] : memref<4x128xi32, #tpu.memory_space<vmem>> -> memref<1x128xi32, #tpu.memory_space<vmem>>
    %dma_wait3A_67 = tpu.memref_squeeze %dma_wait3A_66 : memref<1x128xi32, #tpu.memory_space<vmem>> -> memref<128xi32, #tpu.memory_space<vmem>>
    %dma_wait3A_68 = arith.constant 0 : i32
    %dma_wait3A_69 = arith.constant 0 : i32
    %dma_wait3A_70 = tpu.memref_slice %arg2[%dma_wait3A_68, %dma_wait3A_69] : memref<16384x128xf32, #tpu.memory_space<hbm>> -> memref<16384x128xf32, #tpu.memory_space<hbm>>
    tpu.wait_indirect_dma semaphore(%arg11 : memref<!tpu.dma_semaphore, #tpu.memory_space<semaphore_mem>>) src(%dma_wait3A_70 : memref<16384x128xf32, #tpu.memory_space<hbm>>) dst(%dma_wait3A_64 : memref<128x128xf32, #tpu.memory_space<vmem>>)
    %dma_wait3A_71 = arith.constant 3 : i32
    %dma_wait3A_72 = arith.constant 384 : i32
    %dma_wait3A_73 = arith.constant 0 : i32
    %dma_wait3A_74 = tpu.memref_slice %arg10[%dma_wait3A_72, %dma_wait3A_73] : memref<512x128xf32, #tpu.memory_space<vmem>> -> memref<128x128xf32, #tpu.memory_space<vmem>>
    %dma_wait3A_75 = arith.constant 0 : i32
    %dma_wait3A_76 = tpu.memref_slice %arg8[%dma_wait3A_71, %dma_wait3A_75] : memref<4x128xi32, #tpu.memory_space<vmem>> -> memref<1x128xi32, #tpu.memory_space<vmem>>
    %dma_wait3A_77 = tpu.memref_squeeze %dma_wait3A_76 : memref<1x128xi32, #tpu.memory_space<vmem>> -> memref<128xi32, #tpu.memory_space<vmem>>
    %dma_wait3A_78 = arith.constant 0 : i32
    %dma_wait3A_79 = arith.constant 0 : i32
    %dma_wait3A_80 = tpu.memref_slice %arg2[%dma_wait3A_78, %dma_wait3A_79] : memref<16384x128xf32, #tpu.memory_space<hbm>> -> memref<16384x128xf32, #tpu.memory_space<hbm>>
    tpu.wait_indirect_dma semaphore(%arg11 : memref<!tpu.dma_semaphore, #tpu.memory_space<semaphore_mem>>) src(%dma_wait3A_80 : memref<16384x128xf32, #tpu.memory_space<hbm>>) dst(%dma_wait3A_74 : memref<128x128xf32, #tpu.memory_space<vmem>>)
    %mul3A_81 = arith.constant 512 : i32
    %mul3A_82 = arith.muli %add3A, %mul3A_81 : i32
    "tpu.region"() ({
      %run_scoped3A = tpu.sem_alloc : memref<!tpu.dma_semaphore, #tpu.memory_space<semaphore_mem>>
      %dma_start3A_165 = arith.constant 0 : i32
      %dma_start3A_166 = tpu.memref_slice %arg6[%mul3A_82, %dma_start3A_165] : memref<16384x128xf32, #tpu.memory_space<hbm>> -> memref<512x128xf32, #tpu.memory_space<hbm>>
      %dma_start3A_167 = arith.constant 0 : i32
      %dma_start3A_168 = tpu.memref_slice %arg6[%mul3A_82, %dma_start3A_167] : memref<16384x128xf32, #tpu.memory_space<hbm>> -> memref<512x128xf32, #tpu.memory_space<hbm>>
      tpu.enqueue_dma source(%arg10 : memref<512x128xf32, #tpu.memory_space<vmem>>) target(%dma_start3A_168 : memref<512x128xf32, #tpu.memory_space<hbm>>) target_semaphore(%run_scoped3A : memref<!tpu.dma_semaphore, #tpu.memory_space<semaphore_mem>>)
      %dma_wait3A_169 = arith.constant 0 : i32
      %dma_wait3A_170 = tpu.memref_slice %arg6[%mul3A_82, %dma_wait3A_169] : memref<16384x128xf32, #tpu.memory_space<hbm>> -> memref<512x128xf32, #tpu.memory_space<hbm>>
      %dma_wait3A_171 = arith.constant 0 : i32
      %dma_wait3A_172 = tpu.memref_slice %arg6[%mul3A_82, %dma_wait3A_171] : memref<16384x128xf32, #tpu.memory_space<hbm>> -> memref<512x128xf32, #tpu.memory_space<hbm>>
      tpu.wait_dma2 semaphore(%run_scoped3A : memref<!tpu.dma_semaphore, #tpu.memory_space<semaphore_mem>>) src(%arg10 : memref<512x128xf32, #tpu.memory_space<vmem>>) dst(%dma_wait3A_172 : memref<512x128xf32, #tpu.memory_space<hbm>>)
      tpu.yield
    }) : () -> ()
    %dma_start3A_83 = arith.constant 0 : i32
    %dma_start3A_84 = arith.constant 0 : i32
    %dma_start3A_85 = arith.constant 0 : i32
    %dma_start3A_86 = tpu.memref_slice %arg10[%dma_start3A_84, %dma_start3A_85] : memref<512x128xf32, #tpu.memory_space<vmem>> -> memref<128x128xf32, #tpu.memory_space<vmem>>
    %dma_start3A_87 = arith.constant 0 : i32
    %dma_start3A_88 = tpu.memref_slice %arg9[%dma_start3A_83, %dma_start3A_87] : memref<4x128xi32, #tpu.memory_space<vmem>> -> memref<1x128xi32, #tpu.memory_space<vmem>>
    %dma_start3A_89 = tpu.memref_squeeze %dma_start3A_88 : memref<1x128xi32, #tpu.memory_space<vmem>> -> memref<128xi32, #tpu.memory_space<vmem>>
    %dma_start3A_90 = arith.constant 0 : i32
    %dma_start3A_91 = arith.constant 0 : i32
    %dma_start3A_92 = tpu.memref_slice %arg3[%dma_start3A_90, %dma_start3A_91] : memref<100000x128xf32, #tpu.memory_space<hbm>> -> memref<100000x128xf32, #tpu.memory_space<hbm>>
    tpu.enqueue_indirect_dma source(%dma_start3A_92 : memref<100000x128xf32, #tpu.memory_space<hbm>>) target(%dma_start3A_86 : memref<128x128xf32, #tpu.memory_space<vmem>>) offsets(%dma_start3A_89 : memref<128xi32, #tpu.memory_space<vmem>>) semaphore(%arg11 : memref<!tpu.dma_semaphore, #tpu.memory_space<semaphore_mem>>)
    %dma_start3A_93 = arith.constant 1 : i32
    %dma_start3A_94 = arith.constant 128 : i32
    %dma_start3A_95 = arith.constant 0 : i32
    %dma_start3A_96 = tpu.memref_slice %arg10[%dma_start3A_94, %dma_start3A_95] : memref<512x128xf32, #tpu.memory_space<vmem>> -> memref<128x128xf32, #tpu.memory_space<vmem>>
    %dma_start3A_97 = arith.constant 0 : i32
    %dma_start3A_98 = tpu.memref_slice %arg9[%dma_start3A_93, %dma_start3A_97] : memref<4x128xi32, #tpu.memory_space<vmem>> -> memref<1x128xi32, #tpu.memory_space<vmem>>
    %dma_start3A_99 = tpu.memref_squeeze %dma_start3A_98 : memref<1x128xi32, #tpu.memory_space<vmem>> -> memref<128xi32, #tpu.memory_space<vmem>>
    %dma_start3A_100 = arith.constant 0 : i32
    %dma_start3A_101 = arith.constant 0 : i32
    %dma_start3A_102 = tpu.memref_slice %arg3[%dma_start3A_100, %dma_start3A_101] : memref<100000x128xf32, #tpu.memory_space<hbm>> -> memref<100000x128xf32, #tpu.memory_space<hbm>>
    tpu.enqueue_indirect_dma source(%dma_start3A_102 : memref<100000x128xf32, #tpu.memory_space<hbm>>) target(%dma_start3A_96 : memref<128x128xf32, #tpu.memory_space<vmem>>) offsets(%dma_start3A_99 : memref<128xi32, #tpu.memory_space<vmem>>) semaphore(%arg11 : memref<!tpu.dma_semaphore, #tpu.memory_space<semaphore_mem>>)
    %dma_start3A_103 = arith.constant 2 : i32
    %dma_start3A_104 = arith.constant 256 : i32
    %dma_start3A_105 = arith.constant 0 : i32
    %dma_start3A_106 = tpu.memref_slice %arg10[%dma_start3A_104, %dma_start3A_105] : memref<512x128xf32, #tpu.memory_space<vmem>> -> memref<128x128xf32, #tpu.memory_space<vmem>>
    %dma_start3A_107 = arith.constant 0 : i32
    %dma_start3A_108 = tpu.memref_slice %arg9[%dma_start3A_103, %dma_start3A_107] : memref<4x128xi32, #tpu.memory_space<vmem>> -> memref<1x128xi32, #tpu.memory_space<vmem>>
    %dma_start3A_109 = tpu.memref_squeeze %dma_start3A_108 : memref<1x128xi32, #tpu.memory_space<vmem>> -> memref<128xi32, #tpu.memory_space<vmem>>
    %dma_start3A_110 = arith.constant 0 : i32
    %dma_start3A_111 = arith.constant 0 : i32
    %dma_start3A_112 = tpu.memref_slice %arg3[%dma_start3A_110, %dma_start3A_111] : memref<100000x128xf32, #tpu.memory_space<hbm>> -> memref<100000x128xf32, #tpu.memory_space<hbm>>
    tpu.enqueue_indirect_dma source(%dma_start3A_112 : memref<100000x128xf32, #tpu.memory_space<hbm>>) target(%dma_start3A_106 : memref<128x128xf32, #tpu.memory_space<vmem>>) offsets(%dma_start3A_109 : memref<128xi32, #tpu.memory_space<vmem>>) semaphore(%arg11 : memref<!tpu.dma_semaphore, #tpu.memory_space<semaphore_mem>>)
    %dma_start3A_113 = arith.constant 3 : i32
    %dma_start3A_114 = arith.constant 384 : i32
    %dma_start3A_115 = arith.constant 0 : i32
    %dma_start3A_116 = tpu.memref_slice %arg10[%dma_start3A_114, %dma_start3A_115] : memref<512x128xf32, #tpu.memory_space<vmem>> -> memref<128x128xf32, #tpu.memory_space<vmem>>
    %dma_start3A_117 = arith.constant 0 : i32
    %dma_start3A_118 = tpu.memref_slice %arg9[%dma_start3A_113, %dma_start3A_117] : memref<4x128xi32, #tpu.memory_space<vmem>> -> memref<1x128xi32, #tpu.memory_space<vmem>>
    %dma_start3A_119 = tpu.memref_squeeze %dma_start3A_118 : memref<1x128xi32, #tpu.memory_space<vmem>> -> memref<128xi32, #tpu.memory_space<vmem>>
    %dma_start3A_120 = arith.constant 0 : i32
    %dma_start3A_121 = arith.constant 0 : i32
    %dma_start3A_122 = tpu.memref_slice %arg3[%dma_start3A_120, %dma_start3A_121] : memref<100000x128xf32, #tpu.memory_space<hbm>> -> memref<100000x128xf32, #tpu.memory_space<hbm>>
    tpu.enqueue_indirect_dma source(%dma_start3A_122 : memref<100000x128xf32, #tpu.memory_space<hbm>>) target(%dma_start3A_116 : memref<128x128xf32, #tpu.memory_space<vmem>>) offsets(%dma_start3A_119 : memref<128xi32, #tpu.memory_space<vmem>>) semaphore(%arg11 : memref<!tpu.dma_semaphore, #tpu.memory_space<semaphore_mem>>)
    %dma_wait3A_123 = arith.constant 0 : i32
    %dma_wait3A_124 = arith.constant 0 : i32
    %dma_wait3A_125 = arith.constant 0 : i32
    %dma_wait3A_126 = tpu.memref_slice %arg10[%dma_wait3A_124, %dma_wait3A_125] : memref<512x128xf32, #tpu.memory_space<vmem>> -> memref<128x128xf32, #tpu.memory_space<vmem>>
    %dma_wait3A_127 = arith.constant 0 : i32
    %dma_wait3A_128 = tpu.memref_slice %arg9[%dma_wait3A_123, %dma_wait3A_127] : memref<4x128xi32, #tpu.memory_space<vmem>> -> memref<1x128xi32, #tpu.memory_space<vmem>>
    %dma_wait3A_129 = tpu.memref_squeeze %dma_wait3A_128 : memref<1x128xi32, #tpu.memory_space<vmem>> -> memref<128xi32, #tpu.memory_space<vmem>>
    %dma_wait3A_130 = arith.constant 0 : i32
    %dma_wait3A_131 = arith.constant 0 : i32
    %dma_wait3A_132 = tpu.memref_slice %arg3[%dma_wait3A_130, %dma_wait3A_131] : memref<100000x128xf32, #tpu.memory_space<hbm>> -> memref<100000x128xf32, #tpu.memory_space<hbm>>
    tpu.wait_indirect_dma semaphore(%arg11 : memref<!tpu.dma_semaphore, #tpu.memory_space<semaphore_mem>>) src(%dma_wait3A_132 : memref<100000x128xf32, #tpu.memory_space<hbm>>) dst(%dma_wait3A_126 : memref<128x128xf32, #tpu.memory_space<vmem>>)
    %dma_wait3A_133 = arith.constant 1 : i32
    %dma_wait3A_134 = arith.constant 128 : i32
    %dma_wait3A_135 = arith.constant 0 : i32
    %dma_wait3A_136 = tpu.memref_slice %arg10[%dma_wait3A_134, %dma_wait3A_135] : memref<512x128xf32, #tpu.memory_space<vmem>> -> memref<128x128xf32, #tpu.memory_space<vmem>>
    %dma_wait3A_137 = arith.constant 0 : i32
    %dma_wait3A_138 = tpu.memref_slice %arg9[%dma_wait3A_133, %dma_wait3A_137] : memref<4x128xi32, #tpu.memory_space<vmem>> -> memref<1x128xi32, #tpu.memory_space<vmem>>
    %dma_wait3A_139 = tpu.memref_squeeze %dma_wait3A_138 : memref<1x128xi32, #tpu.memory_space<vmem>> -> memref<128xi32, #tpu.memory_space<vmem>>
    %dma_wait3A_140 = arith.constant 0 : i32
    %dma_wait3A_141 = arith.constant 0 : i32
    %dma_wait3A_142 = tpu.memref_slice %arg3[%dma_wait3A_140, %dma_wait3A_141] : memref<100000x128xf32, #tpu.memory_space<hbm>> -> memref<100000x128xf32, #tpu.memory_space<hbm>>
    tpu.wait_indirect_dma semaphore(%arg11 : memref<!tpu.dma_semaphore, #tpu.memory_space<semaphore_mem>>) src(%dma_wait3A_142 : memref<100000x128xf32, #tpu.memory_space<hbm>>) dst(%dma_wait3A_136 : memref<128x128xf32, #tpu.memory_space<vmem>>)
    %dma_wait3A_143 = arith.constant 2 : i32
    %dma_wait3A_144 = arith.constant 256 : i32
    %dma_wait3A_145 = arith.constant 0 : i32
    %dma_wait3A_146 = tpu.memref_slice %arg10[%dma_wait3A_144, %dma_wait3A_145] : memref<512x128xf32, #tpu.memory_space<vmem>> -> memref<128x128xf32, #tpu.memory_space<vmem>>
    %dma_wait3A_147 = arith.constant 0 : i32
    %dma_wait3A_148 = tpu.memref_slice %arg9[%dma_wait3A_143, %dma_wait3A_147] : memref<4x128xi32, #tpu.memory_space<vmem>> -> memref<1x128xi32, #tpu.memory_space<vmem>>
    %dma_wait3A_149 = tpu.memref_squeeze %dma_wait3A_148 : memref<1x128xi32, #tpu.memory_space<vmem>> -> memref<128xi32, #tpu.memory_space<vmem>>
    %dma_wait3A_150 = arith.constant 0 : i32
    %dma_wait3A_151 = arith.constant 0 : i32
    %dma_wait3A_152 = tpu.memref_slice %arg3[%dma_wait3A_150, %dma_wait3A_151] : memref<100000x128xf32, #tpu.memory_space<hbm>> -> memref<100000x128xf32, #tpu.memory_space<hbm>>
    tpu.wait_indirect_dma semaphore(%arg11 : memref<!tpu.dma_semaphore, #tpu.memory_space<semaphore_mem>>) src(%dma_wait3A_152 : memref<100000x128xf32, #tpu.memory_space<hbm>>) dst(%dma_wait3A_146 : memref<128x128xf32, #tpu.memory_space<vmem>>)
    %dma_wait3A_153 = arith.constant 3 : i32
    %dma_wait3A_154 = arith.constant 384 : i32
    %dma_wait3A_155 = arith.constant 0 : i32
    %dma_wait3A_156 = tpu.memref_slice %arg10[%dma_wait3A_154, %dma_wait3A_155] : memref<512x128xf32, #tpu.memory_space<vmem>> -> memref<128x128xf32, #tpu.memory_space<vmem>>
    %dma_wait3A_157 = arith.constant 0 : i32
    %dma_wait3A_158 = tpu.memref_slice %arg9[%dma_wait3A_153, %dma_wait3A_157] : memref<4x128xi32, #tpu.memory_space<vmem>> -> memref<1x128xi32, #tpu.memory_space<vmem>>
    %dma_wait3A_159 = tpu.memref_squeeze %dma_wait3A_158 : memref<1x128xi32, #tpu.memory_space<vmem>> -> memref<128xi32, #tpu.memory_space<vmem>>
    %dma_wait3A_160 = arith.constant 0 : i32
    %dma_wait3A_161 = arith.constant 0 : i32
    %dma_wait3A_162 = tpu.memref_slice %arg3[%dma_wait3A_160, %dma_wait3A_161] : memref<100000x128xf32, #tpu.memory_space<hbm>> -> memref<100000x128xf32, #tpu.memory_space<hbm>>
    tpu.wait_indirect_dma semaphore(%arg11 : memref<!tpu.dma_semaphore, #tpu.memory_space<semaphore_mem>>) src(%dma_wait3A_162 : memref<100000x128xf32, #tpu.memory_space<hbm>>) dst(%dma_wait3A_156 : memref<128x128xf32, #tpu.memory_space<vmem>>)
    %mul3A_163 = arith.constant 512 : i32
    %mul3A_164 = arith.muli %add3A, %mul3A_163 : i32
    "tpu.region"() ({
      %run_scoped3A = tpu.sem_alloc : memref<!tpu.dma_semaphore, #tpu.memory_space<semaphore_mem>>
      %dma_start3A_165 = arith.constant 0 : i32
      %dma_start3A_166 = tpu.memref_slice %arg7[%mul3A_164, %dma_start3A_165] : memref<16384x128xf32, #tpu.memory_space<hbm>> -> memref<512x128xf32, #tpu.memory_space<hbm>>
      %dma_start3A_167 = arith.constant 0 : i32
      %dma_start3A_168 = tpu.memref_slice %arg7[%mul3A_164, %dma_start3A_167] : memref<16384x128xf32, #tpu.memory_space<hbm>> -> memref<512x128xf32, #tpu.memory_space<hbm>>
      tpu.enqueue_dma source(%arg10 : memref<512x128xf32, #tpu.memory_space<vmem>>) target(%dma_start3A_168 : memref<512x128xf32, #tpu.memory_space<hbm>>) target_semaphore(%run_scoped3A : memref<!tpu.dma_semaphore, #tpu.memory_space<semaphore_mem>>)
      %dma_wait3A_169 = arith.constant 0 : i32
      %dma_wait3A_170 = tpu.memref_slice %arg7[%mul3A_164, %dma_wait3A_169] : memref<16384x128xf32, #tpu.memory_space<hbm>> -> memref<512x128xf32, #tpu.memory_space<hbm>>
      %dma_wait3A_171 = arith.constant 0 : i32
      %dma_wait3A_172 = tpu.memref_slice %arg7[%mul3A_164, %dma_wait3A_171] : memref<16384x128xf32, #tpu.memory_space<hbm>> -> memref<512x128xf32, #tpu.memory_space<hbm>>
      tpu.wait_dma2 semaphore(%run_scoped3A : memref<!tpu.dma_semaphore, #tpu.memory_space<semaphore_mem>>) src(%arg10 : memref<512x128xf32, #tpu.memory_space<vmem>>) dst(%dma_wait3A_172 : memref<512x128xf32, #tpu.memory_space<hbm>>)
      tpu.yield
    }) : () -> ()
    return
  }
}

#map = affine_map<(d0, d1) -> (0, 0)>
module attributes {stable_mosaic.version = 14 : i64} {
  func.func @new_body(%arg0: i32, %arg1: i32, %arg2: memref<16384x128xf32, #tpu.memory_space<hbm>>, %arg3: memref<128x128xi32, #tpu.memory_space<hbm>>, %arg4: memref<128x128xi32, #tpu.memory_space<hbm>>, %arg5: memref<100000x128xf32, #tpu.memory_space<hbm>>, %arg6: memref<100000x128xf32, #tpu.memory_space<hbm>>, %arg7: memref<4x128xi32, #tpu.memory_space<vmem>>, %arg8: memref<4x128xi32, #tpu.memory_space<vmem>>, %arg9: memref<512x128xf32, #tpu.memory_space<vmem>>, %arg10: memref<!tpu.dma_semaphore, #tpu.memory_space<semaphore_mem>>) attributes {dimension_semantics = [#tpu.dimension_semantics<core_parallel>, #tpu.dimension_semantics<subcore_parallel>], iteration_bounds = array<i64: 2, 16>, scalar_prefetch = 0 : i64, scratch_operands = 4 : i64, tpu.core_type = #tpu.core_type<sc_vector_subcore>, window_params = [{transform_indices = #map}, {transform_indices = #map}, {transform_indices = #map}, {transform_indices = #map}, {transform_indices = #map}]} {
    %mul3A = arith.constant 2 : i32
    %mul3A_0 = arith.muli %arg1, %mul3A : i32
    %add3A = arith.addi %mul3A_0, %arg0 : i32
    %mul3A_1 = arith.constant 4 : i32
    %mul3A_2 = arith.muli %add3A, %mul3A_1 : i32
    "tpu.region"() ({
      %run_scoped3A = tpu.sem_alloc : memref<!tpu.dma_semaphore, #tpu.memory_space<semaphore_mem>>
      %dma_start3A_161 = arith.constant 0 : i32
      %dma_start3A_162 = tpu.memref_slice %arg3[%mul3A_2, %dma_start3A_161] : memref<128x128xi32, #tpu.memory_space<hbm>> -> memref<4x128xi32, #tpu.memory_space<hbm>>
      %dma_start3A_163 = arith.constant 0 : i32
      %dma_start3A_164 = tpu.memref_slice %arg3[%mul3A_2, %dma_start3A_163] : memref<128x128xi32, #tpu.memory_space<hbm>> -> memref<4x128xi32, #tpu.memory_space<hbm>>
      tpu.enqueue_dma source(%dma_start3A_164 : memref<4x128xi32, #tpu.memory_space<hbm>>) target(%arg7 : memref<4x128xi32, #tpu.memory_space<vmem>>) target_semaphore(%run_scoped3A : memref<!tpu.dma_semaphore, #tpu.memory_space<semaphore_mem>>)
      %dma_wait3A_165 = arith.constant 0 : i32
      %dma_wait3A_166 = tpu.memref_slice %arg3[%mul3A_2, %dma_wait3A_165] : memref<128x128xi32, #tpu.memory_space<hbm>> -> memref<4x128xi32, #tpu.memory_space<hbm>>
      %dma_wait3A_167 = arith.constant 0 : i32
      %dma_wait3A_168 = tpu.memref_slice %arg3[%mul3A_2, %dma_wait3A_167] : memref<128x128xi32, #tpu.memory_space<hbm>> -> memref<4x128xi32, #tpu.memory_space<hbm>>
      tpu.wait_dma2 semaphore(%run_scoped3A : memref<!tpu.dma_semaphore, #tpu.memory_space<semaphore_mem>>) src(%dma_wait3A_168 : memref<4x128xi32, #tpu.memory_space<hbm>>) dst(%arg7 : memref<4x128xi32, #tpu.memory_space<vmem>>)
      tpu.yield
    }) : () -> ()
    "tpu.region"() ({
      %run_scoped3A = tpu.sem_alloc : memref<!tpu.dma_semaphore, #tpu.memory_space<semaphore_mem>>
      %dma_start3A_161 = arith.constant 0 : i32
      %dma_start3A_162 = tpu.memref_slice %arg4[%mul3A_2, %dma_start3A_161] : memref<128x128xi32, #tpu.memory_space<hbm>> -> memref<4x128xi32, #tpu.memory_space<hbm>>
      %dma_start3A_163 = arith.constant 0 : i32
      %dma_start3A_164 = tpu.memref_slice %arg4[%mul3A_2, %dma_start3A_163] : memref<128x128xi32, #tpu.memory_space<hbm>> -> memref<4x128xi32, #tpu.memory_space<hbm>>
      tpu.enqueue_dma source(%dma_start3A_164 : memref<4x128xi32, #tpu.memory_space<hbm>>) target(%arg8 : memref<4x128xi32, #tpu.memory_space<vmem>>) target_semaphore(%run_scoped3A : memref<!tpu.dma_semaphore, #tpu.memory_space<semaphore_mem>>)
      %dma_wait3A_165 = arith.constant 0 : i32
      %dma_wait3A_166 = tpu.memref_slice %arg4[%mul3A_2, %dma_wait3A_165] : memref<128x128xi32, #tpu.memory_space<hbm>> -> memref<4x128xi32, #tpu.memory_space<hbm>>
      %dma_wait3A_167 = arith.constant 0 : i32
      %dma_wait3A_168 = tpu.memref_slice %arg4[%mul3A_2, %dma_wait3A_167] : memref<128x128xi32, #tpu.memory_space<hbm>> -> memref<4x128xi32, #tpu.memory_space<hbm>>
      tpu.wait_dma2 semaphore(%run_scoped3A : memref<!tpu.dma_semaphore, #tpu.memory_space<semaphore_mem>>) src(%dma_wait3A_168 : memref<4x128xi32, #tpu.memory_space<hbm>>) dst(%arg8 : memref<4x128xi32, #tpu.memory_space<vmem>>)
      tpu.yield
    }) : () -> ()
    %dma_start3A = arith.constant 0 : i32
    %dma_start3A_3 = arith.constant 0 : i32
    %dma_start3A_4 = arith.constant 0 : i32
    %dma_start3A_5 = tpu.memref_slice %arg9[%dma_start3A_3, %dma_start3A_4] : memref<512x128xf32, #tpu.memory_space<vmem>> -> memref<128x128xf32, #tpu.memory_space<vmem>>
    %dma_start3A_6 = arith.constant 0 : i32
    %dma_start3A_7 = tpu.memref_slice %arg7[%dma_start3A, %dma_start3A_6] : memref<4x128xi32, #tpu.memory_space<vmem>> -> memref<1x128xi32, #tpu.memory_space<vmem>>
    %dma_start3A_8 = tpu.memref_squeeze %dma_start3A_7 : memref<1x128xi32, #tpu.memory_space<vmem>> -> memref<128xi32, #tpu.memory_space<vmem>>
    %dma_start3A_9 = arith.constant 0 : i32
    %dma_start3A_10 = arith.constant 0 : i32
    %dma_start3A_11 = tpu.memref_slice %arg2[%dma_start3A_9, %dma_start3A_10] : memref<16384x128xf32, #tpu.memory_space<hbm>> -> memref<16384x128xf32, #tpu.memory_space<hbm>>
    tpu.enqueue_indirect_dma source(%dma_start3A_11 : memref<16384x128xf32, #tpu.memory_space<hbm>>) target(%dma_start3A_5 : memref<128x128xf32, #tpu.memory_space<vmem>>) offsets(%dma_start3A_8 : memref<128xi32, #tpu.memory_space<vmem>>) semaphore(%arg10 : memref<!tpu.dma_semaphore, #tpu.memory_space<semaphore_mem>>)
    %dma_start3A_12 = arith.constant 1 : i32
    %dma_start3A_13 = arith.constant 128 : i32
    %dma_start3A_14 = arith.constant 0 : i32
    %dma_start3A_15 = tpu.memref_slice %arg9[%dma_start3A_13, %dma_start3A_14] : memref<512x128xf32, #tpu.memory_space<vmem>> -> memref<128x128xf32, #tpu.memory_space<vmem>>
    %dma_start3A_16 = arith.constant 0 : i32
    %dma_start3A_17 = tpu.memref_slice %arg7[%dma_start3A_12, %dma_start3A_16] : memref<4x128xi32, #tpu.memory_space<vmem>> -> memref<1x128xi32, #tpu.memory_space<vmem>>
    %dma_start3A_18 = tpu.memref_squeeze %dma_start3A_17 : memref<1x128xi32, #tpu.memory_space<vmem>> -> memref<128xi32, #tpu.memory_space<vmem>>
    %dma_start3A_19 = arith.constant 0 : i32
    %dma_start3A_20 = arith.constant 0 : i32
    %dma_start3A_21 = tpu.memref_slice %arg2[%dma_start3A_19, %dma_start3A_20] : memref<16384x128xf32, #tpu.memory_space<hbm>> -> memref<16384x128xf32, #tpu.memory_space<hbm>>
    tpu.enqueue_indirect_dma source(%dma_start3A_21 : memref<16384x128xf32, #tpu.memory_space<hbm>>) target(%dma_start3A_15 : memref<128x128xf32, #tpu.memory_space<vmem>>) offsets(%dma_start3A_18 : memref<128xi32, #tpu.memory_space<vmem>>) semaphore(%arg10 : memref<!tpu.dma_semaphore, #tpu.memory_space<semaphore_mem>>)
    %dma_start3A_22 = arith.constant 2 : i32
    %dma_start3A_23 = arith.constant 256 : i32
    %dma_start3A_24 = arith.constant 0 : i32
    %dma_start3A_25 = tpu.memref_slice %arg9[%dma_start3A_23, %dma_start3A_24] : memref<512x128xf32, #tpu.memory_space<vmem>> -> memref<128x128xf32, #tpu.memory_space<vmem>>
    %dma_start3A_26 = arith.constant 0 : i32
    %dma_start3A_27 = tpu.memref_slice %arg7[%dma_start3A_22, %dma_start3A_26] : memref<4x128xi32, #tpu.memory_space<vmem>> -> memref<1x128xi32, #tpu.memory_space<vmem>>
    %dma_start3A_28 = tpu.memref_squeeze %dma_start3A_27 : memref<1x128xi32, #tpu.memory_space<vmem>> -> memref<128xi32, #tpu.memory_space<vmem>>
    %dma_start3A_29 = arith.constant 0 : i32
    %dma_start3A_30 = arith.constant 0 : i32
    %dma_start3A_31 = tpu.memref_slice %arg2[%dma_start3A_29, %dma_start3A_30] : memref<16384x128xf32, #tpu.memory_space<hbm>> -> memref<16384x128xf32, #tpu.memory_space<hbm>>
    tpu.enqueue_indirect_dma source(%dma_start3A_31 : memref<16384x128xf32, #tpu.memory_space<hbm>>) target(%dma_start3A_25 : memref<128x128xf32, #tpu.memory_space<vmem>>) offsets(%dma_start3A_28 : memref<128xi32, #tpu.memory_space<vmem>>) semaphore(%arg10 : memref<!tpu.dma_semaphore, #tpu.memory_space<semaphore_mem>>)
    %dma_start3A_32 = arith.constant 3 : i32
    %dma_start3A_33 = arith.constant 384 : i32
    %dma_start3A_34 = arith.constant 0 : i32
    %dma_start3A_35 = tpu.memref_slice %arg9[%dma_start3A_33, %dma_start3A_34] : memref<512x128xf32, #tpu.memory_space<vmem>> -> memref<128x128xf32, #tpu.memory_space<vmem>>
    %dma_start3A_36 = arith.constant 0 : i32
    %dma_start3A_37 = tpu.memref_slice %arg7[%dma_start3A_32, %dma_start3A_36] : memref<4x128xi32, #tpu.memory_space<vmem>> -> memref<1x128xi32, #tpu.memory_space<vmem>>
    %dma_start3A_38 = tpu.memref_squeeze %dma_start3A_37 : memref<1x128xi32, #tpu.memory_space<vmem>> -> memref<128xi32, #tpu.memory_space<vmem>>
    %dma_start3A_39 = arith.constant 0 : i32
    %dma_start3A_40 = arith.constant 0 : i32
    %dma_start3A_41 = tpu.memref_slice %arg2[%dma_start3A_39, %dma_start3A_40] : memref<16384x128xf32, #tpu.memory_space<hbm>> -> memref<16384x128xf32, #tpu.memory_space<hbm>>
    tpu.enqueue_indirect_dma source(%dma_start3A_41 : memref<16384x128xf32, #tpu.memory_space<hbm>>) target(%dma_start3A_35 : memref<128x128xf32, #tpu.memory_space<vmem>>) offsets(%dma_start3A_38 : memref<128xi32, #tpu.memory_space<vmem>>) semaphore(%arg10 : memref<!tpu.dma_semaphore, #tpu.memory_space<semaphore_mem>>)
    %dma_wait3A = arith.constant 0 : i32
    %dma_wait3A_42 = arith.constant 0 : i32
    %dma_wait3A_43 = arith.constant 0 : i32
    %dma_wait3A_44 = tpu.memref_slice %arg9[%dma_wait3A_42, %dma_wait3A_43] : memref<512x128xf32, #tpu.memory_space<vmem>> -> memref<128x128xf32, #tpu.memory_space<vmem>>
    %dma_wait3A_45 = arith.constant 0 : i32
    %dma_wait3A_46 = tpu.memref_slice %arg7[%dma_wait3A, %dma_wait3A_45] : memref<4x128xi32, #tpu.memory_space<vmem>> -> memref<1x128xi32, #tpu.memory_space<vmem>>
    %dma_wait3A_47 = tpu.memref_squeeze %dma_wait3A_46 : memref<1x128xi32, #tpu.memory_space<vmem>> -> memref<128xi32, #tpu.memory_space<vmem>>
    %dma_wait3A_48 = arith.constant 0 : i32
    %dma_wait3A_49 = arith.constant 0 : i32
    %dma_wait3A_50 = tpu.memref_slice %arg2[%dma_wait3A_48, %dma_wait3A_49] : memref<16384x128xf32, #tpu.memory_space<hbm>> -> memref<16384x128xf32, #tpu.memory_space<hbm>>
    tpu.wait_indirect_dma semaphore(%arg10 : memref<!tpu.dma_semaphore, #tpu.memory_space<semaphore_mem>>) src(%dma_wait3A_50 : memref<16384x128xf32, #tpu.memory_space<hbm>>) dst(%dma_wait3A_44 : memref<128x128xf32, #tpu.memory_space<vmem>>)
    %dma_wait3A_51 = arith.constant 1 : i32
    %dma_wait3A_52 = arith.constant 128 : i32
    %dma_wait3A_53 = arith.constant 0 : i32
    %dma_wait3A_54 = tpu.memref_slice %arg9[%dma_wait3A_52, %dma_wait3A_53] : memref<512x128xf32, #tpu.memory_space<vmem>> -> memref<128x128xf32, #tpu.memory_space<vmem>>
    %dma_wait3A_55 = arith.constant 0 : i32
    %dma_wait3A_56 = tpu.memref_slice %arg7[%dma_wait3A_51, %dma_wait3A_55] : memref<4x128xi32, #tpu.memory_space<vmem>> -> memref<1x128xi32, #tpu.memory_space<vmem>>
    %dma_wait3A_57 = tpu.memref_squeeze %dma_wait3A_56 : memref<1x128xi32, #tpu.memory_space<vmem>> -> memref<128xi32, #tpu.memory_space<vmem>>
    %dma_wait3A_58 = arith.constant 0 : i32
    %dma_wait3A_59 = arith.constant 0 : i32
    %dma_wait3A_60 = tpu.memref_slice %arg2[%dma_wait3A_58, %dma_wait3A_59] : memref<16384x128xf32, #tpu.memory_space<hbm>> -> memref<16384x128xf32, #tpu.memory_space<hbm>>
    tpu.wait_indirect_dma semaphore(%arg10 : memref<!tpu.dma_semaphore, #tpu.memory_space<semaphore_mem>>) src(%dma_wait3A_60 : memref<16384x128xf32, #tpu.memory_space<hbm>>) dst(%dma_wait3A_54 : memref<128x128xf32, #tpu.memory_space<vmem>>)
    %dma_wait3A_61 = arith.constant 2 : i32
    %dma_wait3A_62 = arith.constant 256 : i32
    %dma_wait3A_63 = arith.constant 0 : i32
    %dma_wait3A_64 = tpu.memref_slice %arg9[%dma_wait3A_62, %dma_wait3A_63] : memref<512x128xf32, #tpu.memory_space<vmem>> -> memref<128x128xf32, #tpu.memory_space<vmem>>
    %dma_wait3A_65 = arith.constant 0 : i32
    %dma_wait3A_66 = tpu.memref_slice %arg7[%dma_wait3A_61, %dma_wait3A_65] : memref<4x128xi32, #tpu.memory_space<vmem>> -> memref<1x128xi32, #tpu.memory_space<vmem>>
    %dma_wait3A_67 = tpu.memref_squeeze %dma_wait3A_66 : memref<1x128xi32, #tpu.memory_space<vmem>> -> memref<128xi32, #tpu.memory_space<vmem>>
    %dma_wait3A_68 = arith.constant 0 : i32
    %dma_wait3A_69 = arith.constant 0 : i32
    %dma_wait3A_70 = tpu.memref_slice %arg2[%dma_wait3A_68, %dma_wait3A_69] : memref<16384x128xf32, #tpu.memory_space<hbm>> -> memref<16384x128xf32, #tpu.memory_space<hbm>>
    tpu.wait_indirect_dma semaphore(%arg10 : memref<!tpu.dma_semaphore, #tpu.memory_space<semaphore_mem>>) src(%dma_wait3A_70 : memref<16384x128xf32, #tpu.memory_space<hbm>>) dst(%dma_wait3A_64 : memref<128x128xf32, #tpu.memory_space<vmem>>)
    %dma_wait3A_71 = arith.constant 3 : i32
    %dma_wait3A_72 = arith.constant 384 : i32
    %dma_wait3A_73 = arith.constant 0 : i32
    %dma_wait3A_74 = tpu.memref_slice %arg9[%dma_wait3A_72, %dma_wait3A_73] : memref<512x128xf32, #tpu.memory_space<vmem>> -> memref<128x128xf32, #tpu.memory_space<vmem>>
    %dma_wait3A_75 = arith.constant 0 : i32
    %dma_wait3A_76 = tpu.memref_slice %arg7[%dma_wait3A_71, %dma_wait3A_75] : memref<4x128xi32, #tpu.memory_space<vmem>> -> memref<1x128xi32, #tpu.memory_space<vmem>>
    %dma_wait3A_77 = tpu.memref_squeeze %dma_wait3A_76 : memref<1x128xi32, #tpu.memory_space<vmem>> -> memref<128xi32, #tpu.memory_space<vmem>>
    %dma_wait3A_78 = arith.constant 0 : i32
    %dma_wait3A_79 = arith.constant 0 : i32
    %dma_wait3A_80 = tpu.memref_slice %arg2[%dma_wait3A_78, %dma_wait3A_79] : memref<16384x128xf32, #tpu.memory_space<hbm>> -> memref<16384x128xf32, #tpu.memory_space<hbm>>
    tpu.wait_indirect_dma semaphore(%arg10 : memref<!tpu.dma_semaphore, #tpu.memory_space<semaphore_mem>>) src(%dma_wait3A_80 : memref<16384x128xf32, #tpu.memory_space<hbm>>) dst(%dma_wait3A_74 : memref<128x128xf32, #tpu.memory_space<vmem>>)
    %dma_start3A_81 = arith.constant 0 : i32
    %dma_start3A_82 = arith.constant 0 : i32
    %dma_start3A_83 = arith.constant 0 : i32
    %dma_start3A_84 = tpu.memref_slice %arg9[%dma_start3A_82, %dma_start3A_83] : memref<512x128xf32, #tpu.memory_space<vmem>> -> memref<128x128xf32, #tpu.memory_space<vmem>>
    %dma_start3A_85 = arith.constant 0 : i32
    %dma_start3A_86 = tpu.memref_slice %arg8[%dma_start3A_81, %dma_start3A_85] : memref<4x128xi32, #tpu.memory_space<vmem>> -> memref<1x128xi32, #tpu.memory_space<vmem>>
    %dma_start3A_87 = tpu.memref_squeeze %dma_start3A_86 : memref<1x128xi32, #tpu.memory_space<vmem>> -> memref<128xi32, #tpu.memory_space<vmem>>
    %dma_start3A_88 = arith.constant 0 : i32
    %dma_start3A_89 = arith.constant 0 : i32
    %dma_start3A_90 = tpu.memref_slice %arg5[%dma_start3A_88, %dma_start3A_89] : memref<100000x128xf32, #tpu.memory_space<hbm>> -> memref<100000x128xf32, #tpu.memory_space<hbm>>
    tpu.enqueue_indirect_dma source(%dma_start3A_84 : memref<128x128xf32, #tpu.memory_space<vmem>>) target(%dma_start3A_90 : memref<100000x128xf32, #tpu.memory_space<hbm>>) offsets(%dma_start3A_87 : memref<128xi32, #tpu.memory_space<vmem>>) semaphore(%arg10 : memref<!tpu.dma_semaphore, #tpu.memory_space<semaphore_mem>>)
    %dma_start3A_91 = arith.constant 1 : i32
    %dma_start3A_92 = arith.constant 128 : i32
    %dma_start3A_93 = arith.constant 0 : i32
    %dma_start3A_94 = tpu.memref_slice %arg9[%dma_start3A_92, %dma_start3A_93] : memref<512x128xf32, #tpu.memory_space<vmem>> -> memref<128x128xf32, #tpu.memory_space<vmem>>
    %dma_start3A_95 = arith.constant 0 : i32
    %dma_start3A_96 = tpu.memref_slice %arg8[%dma_start3A_91, %dma_start3A_95] : memref<4x128xi32, #tpu.memory_space<vmem>> -> memref<1x128xi32, #tpu.memory_space<vmem>>
    %dma_start3A_97 = tpu.memref_squeeze %dma_start3A_96 : memref<1x128xi32, #tpu.memory_space<vmem>> -> memref<128xi32, #tpu.memory_space<vmem>>
    %dma_start3A_98 = arith.constant 0 : i32
    %dma_start3A_99 = arith.constant 0 : i32
    %dma_start3A_100 = tpu.memref_slice %arg5[%dma_start3A_98, %dma_start3A_99] : memref<100000x128xf32, #tpu.memory_space<hbm>> -> memref<100000x128xf32, #tpu.memory_space<hbm>>
    tpu.enqueue_indirect_dma source(%dma_start3A_94 : memref<128x128xf32, #tpu.memory_space<vmem>>) target(%dma_start3A_100 : memref<100000x128xf32, #tpu.memory_space<hbm>>) offsets(%dma_start3A_97 : memref<128xi32, #tpu.memory_space<vmem>>) semaphore(%arg10 : memref<!tpu.dma_semaphore, #tpu.memory_space<semaphore_mem>>)
    %dma_start3A_101 = arith.constant 2 : i32
    %dma_start3A_102 = arith.constant 256 : i32
    %dma_start3A_103 = arith.constant 0 : i32
    %dma_start3A_104 = tpu.memref_slice %arg9[%dma_start3A_102, %dma_start3A_103] : memref<512x128xf32, #tpu.memory_space<vmem>> -> memref<128x128xf32, #tpu.memory_space<vmem>>
    %dma_start3A_105 = arith.constant 0 : i32
    %dma_start3A_106 = tpu.memref_slice %arg8[%dma_start3A_101, %dma_start3A_105] : memref<4x128xi32, #tpu.memory_space<vmem>> -> memref<1x128xi32, #tpu.memory_space<vmem>>
    %dma_start3A_107 = tpu.memref_squeeze %dma_start3A_106 : memref<1x128xi32, #tpu.memory_space<vmem>> -> memref<128xi32, #tpu.memory_space<vmem>>
    %dma_start3A_108 = arith.constant 0 : i32
    %dma_start3A_109 = arith.constant 0 : i32
    %dma_start3A_110 = tpu.memref_slice %arg5[%dma_start3A_108, %dma_start3A_109] : memref<100000x128xf32, #tpu.memory_space<hbm>> -> memref<100000x128xf32, #tpu.memory_space<hbm>>
    tpu.enqueue_indirect_dma source(%dma_start3A_104 : memref<128x128xf32, #tpu.memory_space<vmem>>) target(%dma_start3A_110 : memref<100000x128xf32, #tpu.memory_space<hbm>>) offsets(%dma_start3A_107 : memref<128xi32, #tpu.memory_space<vmem>>) semaphore(%arg10 : memref<!tpu.dma_semaphore, #tpu.memory_space<semaphore_mem>>)
    %dma_start3A_111 = arith.constant 3 : i32
    %dma_start3A_112 = arith.constant 384 : i32
    %dma_start3A_113 = arith.constant 0 : i32
    %dma_start3A_114 = tpu.memref_slice %arg9[%dma_start3A_112, %dma_start3A_113] : memref<512x128xf32, #tpu.memory_space<vmem>> -> memref<128x128xf32, #tpu.memory_space<vmem>>
    %dma_start3A_115 = arith.constant 0 : i32
    %dma_start3A_116 = tpu.memref_slice %arg8[%dma_start3A_111, %dma_start3A_115] : memref<4x128xi32, #tpu.memory_space<vmem>> -> memref<1x128xi32, #tpu.memory_space<vmem>>
    %dma_start3A_117 = tpu.memref_squeeze %dma_start3A_116 : memref<1x128xi32, #tpu.memory_space<vmem>> -> memref<128xi32, #tpu.memory_space<vmem>>
    %dma_start3A_118 = arith.constant 0 : i32
    %dma_start3A_119 = arith.constant 0 : i32
    %dma_start3A_120 = tpu.memref_slice %arg5[%dma_start3A_118, %dma_start3A_119] : memref<100000x128xf32, #tpu.memory_space<hbm>> -> memref<100000x128xf32, #tpu.memory_space<hbm>>
    tpu.enqueue_indirect_dma source(%dma_start3A_114 : memref<128x128xf32, #tpu.memory_space<vmem>>) target(%dma_start3A_120 : memref<100000x128xf32, #tpu.memory_space<hbm>>) offsets(%dma_start3A_117 : memref<128xi32, #tpu.memory_space<vmem>>) semaphore(%arg10 : memref<!tpu.dma_semaphore, #tpu.memory_space<semaphore_mem>>)
    %dma_wait3A_121 = arith.constant 0 : i32
    %dma_wait3A_122 = arith.constant 0 : i32
    %dma_wait3A_123 = arith.constant 0 : i32
    %dma_wait3A_124 = tpu.memref_slice %arg9[%dma_wait3A_122, %dma_wait3A_123] : memref<512x128xf32, #tpu.memory_space<vmem>> -> memref<128x128xf32, #tpu.memory_space<vmem>>
    %dma_wait3A_125 = arith.constant 0 : i32
    %dma_wait3A_126 = tpu.memref_slice %arg8[%dma_wait3A_121, %dma_wait3A_125] : memref<4x128xi32, #tpu.memory_space<vmem>> -> memref<1x128xi32, #tpu.memory_space<vmem>>
    %dma_wait3A_127 = tpu.memref_squeeze %dma_wait3A_126 : memref<1x128xi32, #tpu.memory_space<vmem>> -> memref<128xi32, #tpu.memory_space<vmem>>
    %dma_wait3A_128 = arith.constant 0 : i32
    %dma_wait3A_129 = arith.constant 0 : i32
    %dma_wait3A_130 = tpu.memref_slice %arg5[%dma_wait3A_128, %dma_wait3A_129] : memref<100000x128xf32, #tpu.memory_space<hbm>> -> memref<100000x128xf32, #tpu.memory_space<hbm>>
    tpu.wait_indirect_dma semaphore(%arg10 : memref<!tpu.dma_semaphore, #tpu.memory_space<semaphore_mem>>) src(%dma_wait3A_124 : memref<128x128xf32, #tpu.memory_space<vmem>>) dst(%dma_wait3A_130 : memref<100000x128xf32, #tpu.memory_space<hbm>>)
    %dma_wait3A_131 = arith.constant 1 : i32
    %dma_wait3A_132 = arith.constant 128 : i32
    %dma_wait3A_133 = arith.constant 0 : i32
    %dma_wait3A_134 = tpu.memref_slice %arg9[%dma_wait3A_132, %dma_wait3A_133] : memref<512x128xf32, #tpu.memory_space<vmem>> -> memref<128x128xf32, #tpu.memory_space<vmem>>
    %dma_wait3A_135 = arith.constant 0 : i32
    %dma_wait3A_136 = tpu.memref_slice %arg8[%dma_wait3A_131, %dma_wait3A_135] : memref<4x128xi32, #tpu.memory_space<vmem>> -> memref<1x128xi32, #tpu.memory_space<vmem>>
    %dma_wait3A_137 = tpu.memref_squeeze %dma_wait3A_136 : memref<1x128xi32, #tpu.memory_space<vmem>> -> memref<128xi32, #tpu.memory_space<vmem>>
    %dma_wait3A_138 = arith.constant 0 : i32
    %dma_wait3A_139 = arith.constant 0 : i32
    %dma_wait3A_140 = tpu.memref_slice %arg5[%dma_wait3A_138, %dma_wait3A_139] : memref<100000x128xf32, #tpu.memory_space<hbm>> -> memref<100000x128xf32, #tpu.memory_space<hbm>>
    tpu.wait_indirect_dma semaphore(%arg10 : memref<!tpu.dma_semaphore, #tpu.memory_space<semaphore_mem>>) src(%dma_wait3A_134 : memref<128x128xf32, #tpu.memory_space<vmem>>) dst(%dma_wait3A_140 : memref<100000x128xf32, #tpu.memory_space<hbm>>)
    %dma_wait3A_141 = arith.constant 2 : i32
    %dma_wait3A_142 = arith.constant 256 : i32
    %dma_wait3A_143 = arith.constant 0 : i32
    %dma_wait3A_144 = tpu.memref_slice %arg9[%dma_wait3A_142, %dma_wait3A_143] : memref<512x128xf32, #tpu.memory_space<vmem>> -> memref<128x128xf32, #tpu.memory_space<vmem>>
    %dma_wait3A_145 = arith.constant 0 : i32
    %dma_wait3A_146 = tpu.memref_slice %arg8[%dma_wait3A_141, %dma_wait3A_145] : memref<4x128xi32, #tpu.memory_space<vmem>> -> memref<1x128xi32, #tpu.memory_space<vmem>>
    %dma_wait3A_147 = tpu.memref_squeeze %dma_wait3A_146 : memref<1x128xi32, #tpu.memory_space<vmem>> -> memref<128xi32, #tpu.memory_space<vmem>>
    %dma_wait3A_148 = arith.constant 0 : i32
    %dma_wait3A_149 = arith.constant 0 : i32
    %dma_wait3A_150 = tpu.memref_slice %arg5[%dma_wait3A_148, %dma_wait3A_149] : memref<100000x128xf32, #tpu.memory_space<hbm>> -> memref<100000x128xf32, #tpu.memory_space<hbm>>
    tpu.wait_indirect_dma semaphore(%arg10 : memref<!tpu.dma_semaphore, #tpu.memory_space<semaphore_mem>>) src(%dma_wait3A_144 : memref<128x128xf32, #tpu.memory_space<vmem>>) dst(%dma_wait3A_150 : memref<100000x128xf32, #tpu.memory_space<hbm>>)
    %dma_wait3A_151 = arith.constant 3 : i32
    %dma_wait3A_152 = arith.constant 384 : i32
    %dma_wait3A_153 = arith.constant 0 : i32
    %dma_wait3A_154 = tpu.memref_slice %arg9[%dma_wait3A_152, %dma_wait3A_153] : memref<512x128xf32, #tpu.memory_space<vmem>> -> memref<128x128xf32, #tpu.memory_space<vmem>>
    %dma_wait3A_155 = arith.constant 0 : i32
    %dma_wait3A_156 = tpu.memref_slice %arg8[%dma_wait3A_151, %dma_wait3A_155] : memref<4x128xi32, #tpu.memory_space<vmem>> -> memref<1x128xi32, #tpu.memory_space<vmem>>
    %dma_wait3A_157 = tpu.memref_squeeze %dma_wait3A_156 : memref<1x128xi32, #tpu.memory_space<vmem>> -> memref<128xi32, #tpu.memory_space<vmem>>
    %dma_wait3A_158 = arith.constant 0 : i32
    %dma_wait3A_159 = arith.constant 0 : i32
    %dma_wait3A_160 = tpu.memref_slice %arg5[%dma_wait3A_158, %dma_wait3A_159] : memref<100000x128xf32, #tpu.memory_space<hbm>> -> memref<100000x128xf32, #tpu.memory_space<hbm>>
    tpu.wait_indirect_dma semaphore(%arg10 : memref<!tpu.dma_semaphore, #tpu.memory_space<semaphore_mem>>) src(%dma_wait3A_154 : memref<128x128xf32, #tpu.memory_space<vmem>>) dst(%dma_wait3A_160 : memref<100000x128xf32, #tpu.memory_space<hbm>>)
    return
  }
}

module attributes {stable_mosaic.version = 14 : i64} {
  func.func @_rounds_body(%arg0: memref<1xi32, #tpu.memory_space<smem>>, %arg1: memref<16384x1xf32, #tpu.memory_space<vmem>>, %arg2: memref<16384x128xf32, #tpu.memory_space<vmem>>, %arg3: memref<16384x128xf32, #tpu.memory_space<vmem>>, %arg4: memref<16384x128xf32, #tpu.memory_space<vmem>>, %arg5: memref<16384x128xf32, #tpu.memory_space<vmem>>, %arg6: memref<1x128xf32, #tpu.memory_space<vmem>>) attributes {dimension_semantics = [], scalar_prefetch = 0 : i64, scratch_operands = 2 : i64, tpu.core_type = #tpu.core_type<tc>} {
    %get3A = arith.constant 0 : index
    %get3A_0 = arith.constant 0 : index
    %get3A_1 = vector.load %arg1[%get3A, %get3A_0] : memref<16384x1xf32, #tpu.memory_space<vmem>>, vector<16384x1xf32>
    %gt3A = arith.constant 5.000000e-01 : f32
    %gt3A_2 = vector.broadcast %gt3A : f32 to vector<16384x1xf32>
    %gt3A_3 = arith.cmpf ogt, %get3A_1, %gt3A_2 : vector<16384x1xf32>
    %get3A_4 = arith.constant 0 : index
    %get3A_5 = arith.constant 0 : index
    %get3A_6 = vector.load %arg3[%get3A_4, %get3A_5] : memref<16384x128xf32, #tpu.memory_space<vmem>>, vector<16384x128xf32>
    %mul3A = arith.constant 1.000000e-01 : f32
    %mul3A_7 = vector.broadcast %mul3A : f32 to vector<16384x128xf32>
    %mul3A_8 = arith.mulf %mul3A_7, %get3A_6 : vector<16384x128xf32>
    %get3A_9 = arith.constant 0 : index
    %get3A_10 = arith.constant 0 : index
    %get3A_11 = vector.load %arg2[%get3A_9, %get3A_10] : memref<16384x128xf32, #tpu.memory_space<vmem>>, vector<16384x128xf32>
    %mul3A_12 = arith.constant 0.899999976 : f32
    %mul3A_13 = vector.broadcast %mul3A_12 : f32 to vector<16384x128xf32>
    %mul3A_14 = arith.mulf %mul3A_13, %get3A_11 : vector<16384x128xf32>
    %add3A = arith.addf %mul3A_8, %mul3A_14 : vector<16384x128xf32>
    %get3A_15 = arith.constant 0 : index
    %get3A_16 = arith.constant 0 : index
    %get3A_17 = vector.load %arg2[%get3A_15, %get3A_16] : memref<16384x128xf32, #tpu.memory_space<vmem>>, vector<16384x128xf32>
    %mul3A_18 = arith.constant 0.899999976 : f32
    %mul3A_19 = vector.broadcast %mul3A_18 : f32 to vector<16384x128xf32>
    %mul3A_20 = arith.mulf %mul3A_19, %get3A_17 : vector<16384x128xf32>
    %broadcast_in_dim3A = vector.shape_cast %gt3A_3 : vector<16384x1xi1> to vector<16384x1xi1>
    %broadcast_in_dim3A_21 = vector.broadcast %broadcast_in_dim3A : vector<16384x1xi1> to vector<16384x128xi1>
    %select_n3A = arith.select %broadcast_in_dim3A_21, %add3A, %mul3A_20 : vector<16384x128xi1>, vector<16384x128xf32>
    %swap3A = arith.constant 0 : index
    %swap3A_22 = arith.constant 0 : index
    %swap3A_23 = vector.load %arg5[%swap3A, %swap3A_22] : memref<16384x128xf32, #tpu.memory_space<vmem>>, vector<16384x128xf32>
    tpu.vector_store %arg5[%swap3A, %swap3A_22], %select_n3A {strides = array<i32>} : memref<16384x128xf32, #tpu.memory_space<vmem>>, vector<16384x128xf32>,
    %get3A_24 = arith.constant 0 : index
    %get3A_25 = memref.load %arg0[%get3A_24] : memref<1xi32, #tpu.memory_space<smem>>
    %while3A = arith.constant 0 : i32
    %while3A_26 = arith.constant 0 : i32
    %while3A_27 = arith.subi %get3A_25, %while3A : i32
    %while3A_28 = arith.addi %while3A, %while3A_27 : i32
    %while3A_29 = arith.constant 1 : i32
    %while3A_30 = arith.divsi %while3A_27, %while3A_29 : i32
    %while3A_31 = arith.muli %while3A_30, %while3A_29 : i32
    %while3A_32 = arith.addi %while3A, %while3A_31 : i32
    %while3A_33 = arith.constant 1 : i32
    %while3A_34 = scf.for %while3A_37 = %while3A to %while3A_32 step %while3A_33 iter_args(%while3A_38 = %while3A_26) -> (i32)  : i32 {
      %scan3A = arith.constant 0 : i32
      %scan3A_39 = arith.constant 0 : i32
      %scan3A_40 = arith.constant 2 : i32
      %scan3A_41 = arith.addi %scan3A_39, %scan3A_40 : i32
      %scan3A_42 = arith.constant 1 : i32
      %scan3A_43 = scf.for %scan3A_45 = %scan3A_39 to %scan3A_41 step %scan3A_42 iter_args(%scan3A_46 = %scan3A) -> (i32)  : i32 {
        %mul3A_47 = arith.constant 8192 : i32
        %mul3A_48 = arith.muli %scan3A_45, %mul3A_47 : i32
        %get3A_49 = arith.constant 0 : index
        %get3A_50 = arith.constant 0 : index
        %get3A_51 = vector.load %arg6[%get3A_49, %get3A_50] : memref<1x128xf32, #tpu.memory_space<vmem>>, vector<1x128xf32>
        %mul3A_52 = arith.constant 8192 : i32
        %mul3A_53 = arith.muli %scan3A_45, %mul3A_52 : i32
        %get3A_54 = arith.index_cast %mul3A_53 : i32 to index
        %get3A_55 = arith.constant 0 : index
        %get3A_56 = vector.load %arg4[%get3A_54, %get3A_55] : memref<16384x128xf32, #tpu.memory_space<vmem>>, vector<8191x128xf32>
        %concatenate3A = tpu.concatenate %get3A_51, %get3A_56 in 0 : vector<1x128xf32>, vector<8191x128xf32> -> vector<8192x128xf32>
        %mul3A_57 = arith.constant 8192 : i32
        %mul3A_58 = arith.muli %scan3A_45, %mul3A_57 : i32
        %add3A_59 = arith.constant 8192 : i32
        %add3A_60 = arith.addi %mul3A_58, %add3A_59 : i32
        %sub3A = arith.constant 1 : i32
        %sub3A_61 = arith.subi %add3A_60, %sub3A : i32
        %get3A_62 = arith.index_cast %sub3A_61 : i32 to index
        %get3A_63 = arith.constant 0 : index
        %get3A_64 = vector.load %arg4[%get3A_62, %get3A_63] : memref<16384x128xf32, #tpu.memory_space<vmem>>, vector<1x128xf32>
        %swap3A_65 = arith.constant 0 : index
        %swap3A_66 = arith.constant 0 : index
        %swap3A_67 = vector.load %arg6[%swap3A_65, %swap3A_66] : memref<1x128xf32, #tpu.memory_space<vmem>>, vector<1x128xf32>
        tpu.vector_store %arg6[%swap3A_65, %swap3A_66], %get3A_64 {strides = array<i32>} : memref<1x128xf32, #tpu.memory_space<vmem>>, vector<1x128xf32>,
        %get3A_68 = arith.index_cast %mul3A_48 : i32 to index
        %get3A_69 = arith.constant 0 : index
        %get3A_70 = vector.load %arg5[%get3A_68, %get3A_69] : memref<16384x128xf32, #tpu.memory_space<vmem>>, vector<8192x128xf32>
        %get3A_71 = arith.index_cast %mul3A_48 : i32 to index
        %get3A_72 = arith.constant 0 : index
        %get3A_73 = vector.load %arg1[%get3A_71, %get3A_72] : memref<16384x1xf32, #tpu.memory_space<vmem>>, vector<8192x1xf32>
        %gt3A_74 = arith.constant 5.000000e-01 : f32
        %gt3A_75 = vector.broadcast %gt3A_74 : f32 to vector<8192x1xf32>
        %gt3A_76 = arith.cmpf ogt, %get3A_73, %gt3A_75 : vector<8192x1xf32>
        %mul3A_77 = arith.constant 1.000000e-01 : f32
        %mul3A_78 = vector.broadcast %mul3A_77 : f32 to vector<8192x128xf32>
        %mul3A_79 = arith.mulf %mul3A_78, %concatenate3A : vector<8192x128xf32>
        %add3A_80 = arith.addf %get3A_70, %mul3A_79 : vector<8192x128xf32>
        %broadcast_in_dim3A_81 = vector.shape_cast %gt3A_76 : vector<8192x1xi1> to vector<8192x1xi1>
        %broadcast_in_dim3A_82 = vector.broadcast %broadcast_in_dim3A_81 : vector<8192x1xi1> to vector<8192x128xi1>
        %select_n3A_83 = arith.select %broadcast_in_dim3A_82, %get3A_70, %add3A_80 : vector<8192x128xi1>, vector<8192x128xf32>
        %mul3A_84 = arith.mulf %select_n3A_83, %select_n3A_83 : vector<8192x128xf32>
        %reduce_sum3A = arith.constant dense<0.000000e+00> : vector<8192xf32>
        %reduce_sum3A_85 = vector.multi_reduction <add>, %mul3A_84, %reduce_sum3A [1] : vector<8192x128xf32> to vector<8192xf32>
        %broadcast_in_dim3A_86 = vector.shape_cast %reduce_sum3A_85 : vector<8192xf32> to vector<8192x1xf32>
        %sqrt3A = math.sqrt %broadcast_in_dim3A_86 : vector<8192x1xf32>
        %max3A = arith.constant 9.99999996E-13 : f32
        %max3A_87 = vector.broadcast %max3A : f32 to vector<8192x1xf32>
        %max3A_88 = arith.maximumf %sqrt3A, %max3A_87 : vector<8192x1xf32>
        %div3A = vector.broadcast %max3A_88 : vector<8192x1xf32> to vector<8192x128xf32>
        %div3A_89 = arith.divf %select_n3A_83, %div3A : vector<8192x128xf32>
        %swap3A_90 = arith.index_cast %mul3A_48 : i32 to index
        %swap3A_91 = arith.constant 0 : index
        %swap3A_92 = vector.load %arg4[%swap3A_90, %swap3A_91] : memref<16384x128xf32, #tpu.memory_space<vmem>>, vector<8192x128xf32>
        tpu.vector_store %arg4[%swap3A_90, %swap3A_91], %div3A_89 {strides = array<i32>} : memref<16384x128xf32, #tpu.memory_space<vmem>>, vector<8192x128xf32>,
        %scan3A_93 = arith.constant 0 : i32
        scf.yield %scan3A_93 : i32
      }
      %scan3A_44 = arith.constant 2 : i32
      scf.yield %scan3A_43 : i32
    }
    %while3A_35 = arith.constant 1 : i32
    %while3A_36 = scf.for %while3A_37 = %while3A_32 to %while3A_28 step %while3A_35 iter_args(%while3A_38 = %while3A_34) -> (i32)  : i32 {
      %scan3A = arith.constant 0 : i32
      %scan3A_39 = arith.constant 0 : i32
      %scan3A_40 = arith.constant 2 : i32
      %scan3A_41 = arith.addi %scan3A_39, %scan3A_40 : i32
      %scan3A_42 = arith.constant 1 : i32
      %scan3A_43 = scf.for %scan3A_45 = %scan3A_39 to %scan3A_41 step %scan3A_42 iter_args(%scan3A_46 = %scan3A) -> (i32)  : i32 {
        %mul3A_47 = arith.constant 8192 : i32
        %mul3A_48 = arith.muli %scan3A_45, %mul3A_47 : i32
        %get3A_49 = arith.constant 0 : index
        %get3A_50 = arith.constant 0 : index
        %get3A_51 = vector.load %arg6[%get3A_49, %get3A_50] : memref<1x128xf32, #tpu.memory_space<vmem>>, vector<1x128xf32>
        %mul3A_52 = arith.constant 8192 : i32
        %mul3A_53 = arith.muli %scan3A_45, %mul3A_52 : i32
        %get3A_54 = arith.index_cast %mul3A_53 : i32 to index
        %get3A_55 = arith.constant 0 : index
        %get3A_56 = vector.load %arg4[%get3A_54, %get3A_55] : memref<16384x128xf32, #tpu.memory_space<vmem>>, vector<8191x128xf32>
        %concatenate3A = tpu.concatenate %get3A_51, %get3A_56 in 0 : vector<1x128xf32>, vector<8191x128xf32> -> vector<8192x128xf32>
        %mul3A_57 = arith.constant 8192 : i32
        %mul3A_58 = arith.muli %scan3A_45, %mul3A_57 : i32
        %add3A_59 = arith.constant 8192 : i32
        %add3A_60 = arith.addi %mul3A_58, %add3A_59 : i32
        %sub3A = arith.constant 1 : i32
        %sub3A_61 = arith.subi %add3A_60, %sub3A : i32
        %get3A_62 = arith.index_cast %sub3A_61 : i32 to index
        %get3A_63 = arith.constant 0 : index
        %get3A_64 = vector.load %arg4[%get3A_62, %get3A_63] : memref<16384x128xf32, #tpu.memory_space<vmem>>, vector<1x128xf32>
        %swap3A_65 = arith.constant 0 : index
        %swap3A_66 = arith.constant 0 : index
        %swap3A_67 = vector.load %arg6[%swap3A_65, %swap3A_66] : memref<1x128xf32, #tpu.memory_space<vmem>>, vector<1x128xf32>
        tpu.vector_store %arg6[%swap3A_65, %swap3A_66], %get3A_64 {strides = array<i32>} : memref<1x128xf32, #tpu.memory_space<vmem>>, vector<1x128xf32>,
        %get3A_68 = arith.index_cast %mul3A_48 : i32 to index
        %get3A_69 = arith.constant 0 : index
        %get3A_70 = vector.load %arg5[%get3A_68, %get3A_69] : memref<16384x128xf32, #tpu.memory_space<vmem>>, vector<8192x128xf32>
        %get3A_71 = arith.index_cast %mul3A_48 : i32 to index
        %get3A_72 = arith.constant 0 : index
        %get3A_73 = vector.load %arg1[%get3A_71, %get3A_72] : memref<16384x1xf32, #tpu.memory_space<vmem>>, vector<8192x1xf32>
        %gt3A_74 = arith.constant 5.000000e-01 : f32
        %gt3A_75 = vector.broadcast %gt3A_74 : f32 to vector<8192x1xf32>
        %gt3A_76 = arith.cmpf ogt, %get3A_73, %gt3A_75 : vector<8192x1xf32>
        %mul3A_77 = arith.constant 1.000000e-01 : f32
        %mul3A_78 = vector.broadcast %mul3A_77 : f32 to vector<8192x128xf32>
        %mul3A_79 = arith.mulf %mul3A_78, %concatenate3A : vector<8192x128xf32>
        %add3A_80 = arith.addf %get3A_70, %mul3A_79 : vector<8192x128xf32>
        %broadcast_in_dim3A_81 = vector.shape_cast %gt3A_76 : vector<8192x1xi1> to vector<8192x1xi1>
        %broadcast_in_dim3A_82 = vector.broadcast %broadcast_in_dim3A_81 : vector<8192x1xi1> to vector<8192x128xi1>
        %select_n3A_83 = arith.select %broadcast_in_dim3A_82, %get3A_70, %add3A_80 : vector<8192x128xi1>, vector<8192x128xf32>
        %mul3A_84 = arith.mulf %select_n3A_83, %select_n3A_83 : vector<8192x128xf32>
        %reduce_sum3A = arith.constant dense<0.000000e+00> : vector<8192xf32>
        %reduce_sum3A_85 = vector.multi_reduction <add>, %mul3A_84, %reduce_sum3A [1] : vector<8192x128xf32> to vector<8192xf32>
        %broadcast_in_dim3A_86 = vector.shape_cast %reduce_sum3A_85 : vector<8192xf32> to vector<8192x1xf32>
        %sqrt3A = math.sqrt %broadcast_in_dim3A_86 : vector<8192x1xf32>
        %max3A = arith.constant 9.99999996E-13 : f32
        %max3A_87 = vector.broadcast %max3A : f32 to vector<8192x1xf32>
        %max3A_88 = arith.maximumf %sqrt3A, %max3A_87 : vector<8192x1xf32>
        %div3A = vector.broadcast %max3A_88 : vector<8192x1xf32> to vector<8192x128xf32>
        %div3A_89 = arith.divf %select_n3A_83, %div3A : vector<8192x128xf32>
        %swap3A_90 = arith.index_cast %mul3A_48 : i32 to index
        %swap3A_91 = arith.constant 0 : index
        %swap3A_92 = vector.load %arg4[%swap3A_90, %swap3A_91] : memref<16384x128xf32, #tpu.memory_space<vmem>>, vector<8192x128xf32>
        tpu.vector_store %arg4[%swap3A_90, %swap3A_91], %div3A_89 {strides = array<i32>} : memref<16384x128xf32, #tpu.memory_space<vmem>>, vector<8192x128xf32>,
        %scan3A_93 = arith.constant 0 : i32
        scf.yield %scan3A_93 : i32
      }
      %scan3A_44 = arith.constant 2 : i32
      scf.yield %scan3A_43 : i32
    }
    return
  }
}

</mosaic_0001>

<sc_bundles>
// kernel: kernel.5.cloned.1.call-start
scs
__scs_entry_jumppad:
0x0: {  	(pc) =	sbr.rel $0x88, $3  }
0x1: {  	(tag) =	ssettag $0x0;
	lr =	simm.s32 $0x1  }
0x2: {  	[smem:$0x3F9E] =	sst lr;
	_ =	strace $0xD0000000  }
0x3: {  	_ = 	snop  }
0x4: {  	_ = 	snop  }
0x5: {  	_ = 	snop  }
0x6: {  	_ = 	snop  }
0x7: {  	_ = 	snop  }
__scs_overlays_trampoline_lowered:
0x8: {  	[smem:$0x3FAD] =	sst s0  }
0x9: {  	[smem:$0x3FAE] =	sst s1  }
0xa: {  	[smem:$0x3FAF] =	sst s2  }
0xb: {  	[smem:$0x3FB0] =	sst s3  }
0xc: {  	[smem:$0x3FB1] =	sst s4  }
0xd: {  	[smem:$0x3FB2] =	sst s5  }
0xe: {  	[smem:$0x3FB3] =	sst s6  }
0xf: {  	[smem:$0x3FB4] =	sst s7  }
0x10: {  	[smem:$0x3FB5] =	sst s8  }
0x11: {  	[smem:$0x3FB6] =	sst s9;
	s0 =	simm.s32 @!p0 $0x0  }
0x12: {  	s1 =	sld [smem:$0x3F9C];
	s0 =	simm.s32 @p0 $0x1  }
0x13: {  	[smem:$0x3FB7] =	sst s0;
	s0 =	simm.s32 @!p1 $0x0  }
0x14: {  	s2 =	sld [smem:$0x3F9B];
	s0 =	simm.s32 @p1 $0x1  }
0x15: {  	[smem:$0x3FB8] =	sst s0;
	s0 =	simm.s32 @!p2 $0x0  }
0x16: {  	s3 =	sld [smem:$0x3FDB];
	s0 =	simm.s32 @p2 $0x1  }
0x17: {  	s4 =	simm.s32 $0x1BF5;
	[smem:$0x3FBA] =	sst s0  }
0x18: {  	s0 =	sld [smem:$0x3F9D];
	_ =	swait.ge [sflag:s4], $0x0  }
0x19: {  	s7 =	sld [smem:$0x3F9E]  }
0x1a: {  	s8 =	sadd.s32 $0xFFFFE003, lr  }
0x1b: {  	s9 =	sadd.s32 $0xFFFFFEF7, lr;
	s5 =	simm.s32 $0xFFFFFFFF;
	p2 =	slt.u32 s8, $0xFFFFF086  }
0x1c: {  	p1 =	slt.u32 s9, $0xF7A;
	s5 =	simm.s32 @!p2 $0x0  }
0x1d: {  	s5 =	simm.s32 @p1 $0x1;
	p0 =	seq.s32 s7, s2  }
0x1e: {  	s7 =	smul.u32 @!p0 $0xF7A, s2;
	p2 =	seq.s32 @!p0 s5, $0x0  }
0x1f: {  	s9 =	smul.u32 $0xF7A, s1;
	s8 =	simm.s32 @!p0 $0x1BF5;
	p2 =	por !p2, p0  }
0x20: {  	[sflag:s8] =	ssyncset.s32 @!p0 $0xFFFFF086;
	s6 =	sadd.s32 @!p0 s3, s7;
	s7 =	simm.s32 @!p0 $0x108  }
0x21: {  	s3 =	sadd.s32 s3, s9;
	s6 =	sadd.s32 @!p0 $0x88, s6;
	s7 =	simm.s32 @p2 $0x1082  }
0x22: {  	[simem:s7], [sflag:s8] =	dma.local @!p0 [hbm:s6], $0xF7A  }
0x23: {  	s9 =	sor.u32 $0xD0000000, s2;
	s6 =	simm.s32 $0x108;
	_ =	swait.ge @!p0 [sflag:s8], $0x0  }
0x24: {  	s3 =	sadd.s32 $0x88, s3;
	s6 =	simm.s32 @!p1 $0x1082;
	[sflag:s4] =	ssyncset.s32 $0xFFFFF086  }
0x25: {  	[simem:s6], [sflag:s4] =	dma.local [hbm:s3], $0xF7A  }
0x26: {  	[smem:$0x3F9E] =	sst s1;
	(tag) =	ssettag s2;
	_ =	strace s9  }
0x27: {  	s1 =	sld [smem:$0x3FAE]  }
0x28: {  	s2 =	sld [smem:$0x3FAF]  }
0x29: {  	s4 =	sld [smem:$0x3FB1]  }
0x2a: {  	p0 =	seq.s32 s5, $0x0;
	s5 =	sld [smem:$0x3FB2]  }
0x2b: {  	s6 =	sld [smem:$0x3FB3]  }
0x2c: {  	s7 =	sld [smem:$0x3FB4]  }
0x2d: {  	s3 =	simm.s32 $0x108;
	s8 =	sld [smem:$0x3FB5]  }
0x2e: {  	s3 =	simm.s32 @!p0 $0x1082;
	s9 =	sld [smem:$0x3FB6]  }
0x2f: {  	lr =	sadd.s32 s0, s3;
	s0 =	sld [smem:$0x3FAD]  }
0x30: {  	s3 =	sld [smem:$0x3FB0]  }
0x31: {  	[smem:$0x3FB9] =	sst s10  }
0x32: {  	s10 =	sld [smem:$0x3FB7];
	_ =	sdelay $0x3  }
0x33: {  	p0 =	seq.s32 s10, $0x1;
	s10 =	sld [smem:$0x3FB9];
	_ =	sdelay $0x3  }
0x34: {  	[smem:$0x3FB9] =	sst s10  }
0x35: {  	s10 =	sld [smem:$0x3FB8];
	_ =	sdelay $0x3  }
0x36: {  	p1 =	seq.s32 s10, $0x1;
	s10 =	sld [smem:$0x3FB9];
	_ =	sdelay $0x3  }
0x37: {  	[smem:$0x3FB9] =	sst s10  }
0x38: {  	s10 =	sld [smem:$0x3FBA]  }
0x39: {  	_ = 	snop;
	(pc) =	sbr.ind lr, $3  }
0x3a: {  	_ = 	snop  }
0x3b: {  	_ = 	snop  }
0x3c: {  	p2 =	seq.s32 s10, $0x1;
	s10 =	sld [smem:$0x3FB9]  }
0x3d: {  	_ =	shalt  }
0x3e: {  	_ =	shalt  }
0x3f: {  	_ =	shalt  }
0x40: {  	_ =	shalt  }
0x41: {  	_ =	shalt  }
0x42: {  	_ =	shalt  }
0x43: {  	_ =	shalt  }
0x44: {  	_ =	shalt  }
0x45: {  	_ =	shalt  }
0x46: {  	_ =	shalt  }
0x47: {  	_ =	shalt  }
0x48: {  	_ =	shalt  }
0x49: {  	_ =	shalt  }
0x4a: {  	_ =	shalt  }
0x4b: {  	_ =	shalt  }
0x4c: {  	_ =	shalt  }
0x4d: {  	_ =	shalt  }
0x4e: {  	_ =	shalt  }
0x4f: {  	_ =	shalt  }
0x50: {  	_ =	shalt  }
0x51: {  	_ =	shalt  }
0x52: {  	_ =	shalt  }
0x53: {  	_ =	shalt  }
0x54: {  	_ =	shalt  }
0x55: {  	_ =	shalt  }
0x56: {  	_ =	shalt  }
0x57: {  	_ =	shalt  }
0x58: {  	_ =	shalt  }
0x59: {  	_ =	shalt  }
0x5a: {  	_ =	shalt  }
0x5b: {  	_ =	shalt  }
0x5c: {  	_ =	shalt  }
0x5d: {  	_ =	shalt  }
0x5e: {  	_ =	shalt  }
0x5f: {  	_ =	shalt  }
0x60: {  	_ =	shalt  }
0x61: {  	_ =	shalt  }
0x62: {  	_ =	shalt  }
0x63: {  	_ =	shalt  }
0x64: {  	_ =	shalt  }
0x65: {  	_ =	shalt  }
0x66: {  	_ =	shalt  }
0x67: {  	_ =	shalt  }
0x68: {  	_ =	shalt  }
0x69: {  	_ =	shalt  }
0x6a: {  	_ =	shalt  }
0x6b: {  	_ =	shalt  }
0x6c: {  	_ =	shalt  }
0x6d: {  	_ =	shalt  }
0x6e: {  	_ =	shalt  }
0x6f: {  	_ =	shalt  }
0x70: {  	_ =	shalt  }
0x71: {  	_ =	shalt  }
0x72: {  	_ =	shalt  }
0x73: {  	_ =	shalt  }
0x74: {  	_ =	shalt  }
0x75: {  	_ =	shalt  }
0x76: {  	_ =	shalt  }
0x77: {  	_ =	shalt  }
0x78: {  	_ =	shalt  }
0x79: {  	_ =	shalt  }
0x7a: {  	_ =	shalt  }
0x7b: {  	_ =	shalt  }
0x7c: {  	_ =	shalt  }
0x7d: {  	_ =	shalt  }
0x7e: {  	_ =	shalt  }
0x7f: {  	_ =	shalt  }
0x80: {  	_ =	shalt  }
0x81: {  	_ =	shalt  }
0x82: {  	_ =	shalt  }
0x83: {  	_ =	shalt  }
0x84: {  	_ =	shalt  }
0x85: {  	_ =	shalt  }
0x86: {  	_ =	shalt  }
0x87: {  	_ =	shalt  }
.Lfunc_end0:
.L_simem_size_0:
called_computation_lowered:
.L_overlay_start_0:
0x88: {  	s2 =	sld [smem:$0x3FD9]  }
0x89: {  	s3 =	sld [smem:$0x3FFE];
	_ =	sdelay $0x1  }
0x8a: {  	s1 =	srdreg.scid  }
0x8b: {  	s0 =	sand.u32 $0x1, s1  }
0x8c: {  	s17 =	sshll.u32 s0, $0xA;
	s2 =	sadd.s32 s3, s2  }
0x8d: {  	s2 =	sadd.s32 s2, s17  }
0x8e: {  	[smem:$0x3FC5] =	sst s2  }
0x8f: {  	_ = 	snop  }
0x90: {  	s2 =	sld [smem:$0x3FC9]  }
0x91: {  	s18 =	sld [smem:$0x3FD0];
	(tm) =	ssettm $0x1  }
0x92: {  	s4 =	sld [smem:$0x3FFB];
	_ =	sdelay $0x3  }
0x93: {  	_ =	strace s4  }
0x94: {  	s4 =	sld [smem:$0x3FFC];
	_ =	sdelay $0x3  }
0x95: {  	_ =	strace s4  }
0x96: {  	s4 =	sld [smem:$0x3FFD];
	_ =	sdelay $0x3  }
0x97: {  	_ =	strace s4  }
0x98: {  	_ =	strace $0x8FFFFFFF  }
0x99: {  	s19 =	sld [smem:$0x3FDB];
	_ =	sdelay $0x1  }
0x9a: {  	s5 =	simm.s32 $_scs_section_size  }
0x9b: {  	s6 =	simm.s32 $_size__tile_overlayer_lowered;
	s7 =	simm.s32 $_tile_overlayer_lowered  }
0x9c: {  	s22 =	simm.s32 $0x1BFF;
	s21 =	sshll.u32 s7, $0x1;
	s4 =	sadd.s32 s5, s19  }
0x9d: {  	s8 =	simm.s32 $0x0;
	s20 =	sshll.u32 s6, $0x1;
	s6 =	sadd.s32 s21, s4  }
0x9e: {  	[timem:s8], [sflag:s22] =	dma.local [hbm:s6], s20  }
0x9f: {  	_ =	swait.ge [sflag:s22], s20  }
0xa0: {  	s5 =	ssub.s32 $0x0, s20;
	[sflag:s22] =	ssyncset.done $0x0  }
0xa1: {  	[sflag:s22] =	ssyncadd.s32 s5;
	_ =	sdelay $0x1  }
0xa2: {  	s23 =	simm.s32 $0x1B8B  }
0xa3: {  	_ =	swait.ge [sflag:s23], $0x1  }
0xa4: {  	[sflag:s23] =	ssyncset.done $0x0  }
0xa5: {  	s25 =	simm.s32 $0x1B8E;
	s24 =	sld [smem:$0x3FFE];
	[sflag:s23] =	ssyncadd.s32 $0xFFFFFFFF  }
0xa6: {  	s26 =	simm.s32 $execute0_lowered;
	[smem:$0x3FD2] =	sst s25  }
0xa7: {  	s6 =	sshll.u32 s26, $0x1;
	_ =	strace $0x80000046;
	[dreg:$0x1] =	wrdreg $0xFFFFFFFF  }
0xa8: {  	s28 =	simm.s32 $_size_execute0_lowered;
	s4 =	sadd.s32 s4, s6;
	[dreg:$0x0] =	wrdreg $0x0  }
0xa9: {  	s6 =	sshll.u32 s28, $0x1;
	[dreg:$0x2] =	wrdreg s4  }
0xaa: {  	[dreg:$0x3] =	wrdreg s6  }
0xab: {  	[dreg:$0x4] =	wrdreg $0xC0  }
0xac: {  	_ =	task [dreg:s8], $0x5FFFF  }
0xad: {  	[dreg:$0x1] =	wrdreg $0xFFFFFFFF  }
0xae: {  	[dreg:$0x0] =	wrdreg $0x60  }
0xaf: {  	[dreg:$0x2] =	wrdreg s2  }
0xb0: {  	[dreg:$0x3] =	wrdreg s18  }
0xb1: {  	[dreg:$0x4] =	wrdreg s24  }
0xb2: {  	[dreg:$0x5] =	wrdreg $0x9  }
0xb3: {  	_ =	task.clear_ibuf [dreg:s8], $0x6FFFF;
	_ =	strace $0x90000046  }
0xb4: {  	s29 =	simm.s32 $0x9;
	_ =	strace $0x80000048  }
0xb5: {  	_ =	swait.ge [sflag:s29], $0x1  }
0xb6: {  	[sflag:s29] =	ssyncadd.s32 $0xFFFFFFFF  }
0xb7: {  	_ =	strace $0x90000048  }
0xb8: {  	_ =	sfence  }
0xb9: {  	s30 =	sld [smem:$0x0];
	_ =	sdelay $0x2  }
0xba: {  	s31 =	sshll.u32 s1, $0xD;
	s1 =	sshrl.u32 s1, $0x2  }
0xbb: {  	s3 =	sand.u32 $0x4000, s31;
	s1 =	sadd.s32 s1, s30  }
0xbc: {  	s0 =	sor.u32 s3, s0;
	s1 =	sshll.u32 s1, $0x11  }
0xbd: {  	s0 =	sor.u32 s1, s0  }
0xbe: {  	s0 =	sadd.s32 $0x8F2B, s0  }
0xbf: {  	[sflag:s0] =	ssyncadd.remote.s32 $0x1  }
0xc0: {  	_ =	sfence.sel $0xFFFF  }
0xc1: {  	[dreg:$0x0] =	wrdreg $0xFFFFFFFF;
	(pc) =	sbr.abs _section_cstart, $3  }
0xc2: {  	[dreg:$0x1] =	wrdreg $0xFFFFFFFF  }
0xc3: {  	_ =	task.clear_ibuf [dreg:s8], $0x2FFFF;
	_ =	strace $0x9FFFFFFF  }
0xc4: {  	(tm) =	ssettm $0x7FFFFFFF  }
0xc5: {  	_ =	shalt  }
tec
execute0_lowered:
.L_overlay_start_1:
0x0: {  	(tag) =	ssettag $0x1  }
0x1: {  	s2 =	rddreg [dreg:$0x0]  }
0x2: {  	s3 =	rddreg [dreg:$0x1]  }
0x3: {  	s17 =	rddreg [dreg:$0x2];
	s4 =	srdreg.scid  }
0x4: {  	s0 =	rddreg [dreg:$0x3];
	s1 =	stileid.u32;
	s21 =	sand.u32 $0x1, s4  }
0x5: {  	s4 =	simm.s32 $0x0;
	s5 =	sshll.u32 s1, $0x7;
	s6 =	sshll.u32 s21, $0x6  }
0x6: {  	[smem:$0x7FF] =	sst s4;
	s5 =	sor.u32 s6, s5  }
0x7: {  	_ =	strace $0x80000047;
	s6 =	sadd.s32 s17, s5;
	s5 =	simm.s32 $0x2  }
0x8: {  	[tilespmem:s4], [sflag:$0x2] =	stream.linear.gather [hbm4b:s6+s4], $0x200, $0x38;
	[tilespmem:$0x10400] =	vst v63  }
0x9: {  	_ =	swait.ge [sflag:s5], $0x200  }
0xa: {  	[sflag:s5] =	ssyncset.done $0x0  }
0xb: {  	s8 =	simm.s32 $0x200;
	s7 =	sadd.s32 $0x800, s6;
	[sflag:s5] =	ssyncadd.s32 $0xFFFFFE00  }
0xc: {  	[tilespmem:s8], [sflag:$0x2] =	stream.linear.gather [hbm4b:s7+s4], $0x200, $0x38;
	[tilespmem:$0x10400] =	vst v63  }
0xd: {  	_ =	swait.ge [sflag:s5], $0x200  }
0xe: {  	[sflag:s5] =	ssyncset.done $0x0  }
0xf: {  	s9 =	simm.s32 $0x80;
	s10 =	simm.s32 $0x400;
	[sflag:s5] =	ssyncadd.s32 $0xFFFFFE00  }
0x10: {  	[tilespmem:s10], [sflag:$0x1] =	stream.indirect.gather [hbm4b:s2+s9], $0x80, s4, s9, $0xb8;
	[tilespmem:$0x10400] =	vst v63  }
0x11: {  	s11 =	simm.s32 $0x4400  }
0x12: {  	[tilespmem:s11], [sflag:$0x1] =	stream.indirect.gather [hbm4b:s2+s9], $0x80, s9, s9, $0xb8;
	[tilespmem:$0x10400] =	vst v63  }
0x13: {  	s12 =	simm.s32 $0x100;
	s13 =	simm.s32 $0x8400  }
0x14: {  	[tilespmem:s13], [sflag:$0x1] =	stream.indirect.gather [hbm4b:s2+s9], $0x80, s12, s9, $0xb8;
	[tilespmem:$0x10400] =	vst v63  }
0x15: {  	s14 =	simm.s32 $0x180;
	s15 =	simm.s32 $0xC400;
	s16 =	simm.s32 $0x1  }
0x16: {  	[tilespmem:s15], [sflag:$0x1] =	stream.indirect.gather [hbm4b:s2+s9], $0x80, s14, s9, $0xb8;
	[tilespmem:$0x10400] =	vst v63  }
0x17: {  	_ =	swait.ge [sflag:s16], $0x4000  }
0x18: {  	[sflag:s16] =	ssyncset.done $0x0  }
0x19: {  	[sflag:s16] =	ssyncadd.s32 $0xFFFFC000  }
0x1a: {  	_ =	swait.ge [sflag:s16], $0x4000  }
0x1b: {  	[sflag:s16] =	ssyncset.done $0x0  }
0x1c: {  	[sflag:s16] =	ssyncadd.s32 $0xFFFFC000  }
0x1d: {  	_ =	swait.ge [sflag:s16], $0x4000  }
0x1e: {  	[sflag:s16] =	ssyncset.done $0x0  }
0x1f: {  	s18 =	sshll.u32 s1, $0xE;
	s19 =	sshll.u32 s21, $0xD;
	[sflag:s16] =	ssyncadd.s32 $0xFFFFC000  }
0x20: {  	s18 =	sor.u32 s19, s18;
	_ =	swait.ge [sflag:s16], $0x4000  }
0x21: {  	s22 =	sadd.s32 s18, s17;
	[sflag:s16] =	ssyncset.done $0x0  }
0x22: {  	s17 =	sadd.s32 $0x1000, s22;
	[sflag:s16] =	ssyncadd.s32 $0xFFFFC000  }
0x23: {  	[hbm4b:s17+s4] =	stream.linear.scatter [tilespmem:s10], [sflag:$0x2], $0x10000, $0x38;
	[tilespmem:$0x10400] =	vst v63  }
0x24: {  	_ =	swait.ge [sflag:s5], $0x10000  }
0x25: {  	[sflag:s5] =	ssyncset.done $0x0  }
0x26: {  	[sflag:s5] =	ssyncadd.s32 $0xFFFF0000  }
0x27: {  	[tilespmem:s10], [sflag:$0x1] =	stream.indirect.gather [hbm4b:s3+s9], $0x80, s8, s9, $0xb8;
	[tilespmem:$0x10400] =	vst v63  }
0x28: {  	s18 =	simm.s32 $0x280  }
0x29: {  	[tilespmem:s11], [sflag:$0x1] =	stream.indirect.gather [hbm4b:s3+s9], $0x80, s18, s9, $0xb8;
	[tilespmem:$0x10400] =	vst v63  }
0x2a: {  	s19 =	simm.s32 $0x300  }
0x2b: {  	[tilespmem:s13], [sflag:$0x1] =	stream.indirect.gather [hbm4b:s3+s9], $0x80, s19, s9, $0xb8;
	[tilespmem:$0x10400] =	vst v63  }
0x2c: {  	s20 =	simm.s32 $0x380  }
0x2d: {  	[tilespmem:s15], [sflag:$0x1] =	stream.indirect.gather [hbm4b:s3+s9], $0x80, s20, s9, $0xb8;
	[tilespmem:$0x10400] =	vst v63  }
0x2e: {  	_ =	swait.ge [sflag:s16], $0x4000  }
0x2f: {  	[sflag:s16] =	ssyncset.done $0x0  }
0x30: {  	[sflag:s16] =	ssyncadd.s32 $0xFFFFC000  }
0x31: {  	_ =	swait.ge [sflag:s16], $0x4000  }
0x32: {  	[sflag:s16] =	ssyncset.done $0x0  }
0x33: {  	s21 =	ssub.s32 $0x2, s21;
	[sflag:s16] =	ssyncadd.s32 $0xFFFFC000  }
0x34: {  	s23 =	sshrl.u32 s21, $0x1;
	_ =	swait.ge [sflag:s16], $0x4000  }
0x35: {  	s23 =	ssub.s32 s21, s23;
	[sflag:s16] =	ssyncset.done $0x0  }
0x36: {  	s31 =	smax.u32 s23, $0x1;
	[sflag:s16] =	ssyncadd.s32 $0xFFFFC000  }
0x37: {  	p0 =	sne.s32 s31, $0x1;
	_ =	swait.ge [sflag:s16], $0x4000  }
.Ltmp0:
0x38: {  	[sflag:s16] =	ssyncset.done $0x0;
	(pc) =	sbr.rel @!p0 .LBB2_2-.Ltmp0, $4  }
0x39: {  	s21 =	sadd.s32 $0x41000, s22;
	[sflag:s16] =	ssyncadd.s32 $0xFFFFC000  }
0x3a: {  	[hbm4b:s21+s4] =	stream.linear.scatter [tilespmem:s10], [sflag:$0x2], $0x10000, $0x38;
	[tilespmem:$0x10400] =	vst v63  }
0x3b: {  	_ =	swait.ge [sflag:s5], $0x10000  }
0x3c: {  	s22 =	sadd.s32 $0xFFFFFFFF, s31;
	[sflag:s5] =	ssyncset.done $0x0  }
.LBB2_1:
0x3d: {  	p0 =	sne.s32 s22, $0x1;
	s22 =	sadd.s32 $0xFFFFFFFF, s22;
	[sflag:s5] =	ssyncadd.s32 $0xFFFF0000  }
0x3e: {  	[tilespmem:s4], [sflag:$0x2] =	stream.linear.gather [hbm4b:s6+s4], $0x200, $0x38;
	[tilespmem:$0x10400] =	vst v63  }
0x3f: {  	_ =	swait.ge [sflag:s5], $0x200  }
0x40: {  	[sflag:s5] =	ssyncset.done $0x0  }
0x41: {  	[sflag:s5] =	ssyncadd.s32 $0xFFFFFE00  }
0x42: {  	[tilespmem:s8], [sflag:$0x2] =	stream.linear.gather [hbm4b:s7+s4], $0x200, $0x38;
	[tilespmem:$0x10400] =	vst v63  }
0x43: {  	_ =	swait.ge [sflag:s5], $0x200  }
0x44: {  	[sflag:s5] =	ssyncset.done $0x0  }
0x45: {  	[sflag:s5] =	ssyncadd.s32 $0xFFFFFE00  }
0x46: {  	[tilespmem:s10], [sflag:$0x1] =	stream.indirect.gather [hbm4b:s2+s9], $0x80, s4, s9, $0xb8;
	[tilespmem:$0x10400] =	vst v63  }
0x47: {  	_ = 	snop  }
0x48: {  	[tilespmem:s11], [sflag:$0x1] =	stream.indirect.gather [hbm4b:s2+s9], $0x80, s9, s9, $0xb8;
	[tilespmem:$0x10400] =	vst v63  }
0x49: {  	_ = 	snop  }
0x4a: {  	[tilespmem:s13], [sflag:$0x1] =	stream.indirect.gather [hbm4b:s2+s9], $0x80, s12, s9, $0xb8;
	[tilespmem:$0x10400] =	vst v63  }
0x4b: {  	_ = 	snop  }
0x4c: {  	[tilespmem:s15], [sflag:$0x1] =	stream.indirect.gather [hbm4b:s2+s9], $0x80, s14, s9, $0xb8;
	[tilespmem:$0x10400] =	vst v63  }
0x4d: {  	_ =	swait.ge [sflag:s16], $0x4000  }
0x4e: {  	[sflag:s16] =	ssyncset.done $0x0  }
0x4f: {  	[sflag:s16] =	ssyncadd.s32 $0xFFFFC000  }
0x50: {  	_ =	swait.ge [sflag:s16], $0x4000  }
0x51: {  	[sflag:s16] =	ssyncset.done $0x0  }
0x52: {  	[sflag:s16] =	ssyncadd.s32 $0xFFFFC000  }
0x53: {  	_ =	swait.ge [sflag:s16], $0x4000  }
0x54: {  	[sflag:s16] =	ssyncset.done $0x0  }
0x55: {  	[sflag:s16] =	ssyncadd.s32 $0xFFFFC000  }
0x56: {  	_ =	swait.ge [sflag:s16], $0x4000  }
0x57: {  	[sflag:s16] =	ssyncset.done $0x0  }
0x58: {  	[sflag:s16] =	ssyncadd.s32 $0xFFFFC000  }
0x59: {  	[hbm4b:s17+s4] =	stream.linear.scatter [tilespmem:s10], [sflag:$0x2], $0x10000, $0x38;
	[tilespmem:$0x10400] =	vst v63  }
0x5a: {  	_ =	swait.ge [sflag:s5], $0x10000  }
0x5b: {  	[sflag:s5] =	ssyncset.done $0x0  }
0x5c: {  	[sflag:s5] =	ssyncadd.s32 $0xFFFF0000  }
0x5d: {  	[tilespmem:s10], [sflag:$0x1] =	stream.indirect.gather [hbm4b:s3+s9], $0x80, s8, s9, $0xb8;
	[tilespmem:$0x10400] =	vst v63  }
0x5e: {  	_ = 	snop  }
0x5f: {  	[tilespmem:s11], [sflag:$0x1] =	stream.indirect.gather [hbm4b:s3+s9], $0x80, s18, s9, $0xb8;
	[tilespmem:$0x10400] =	vst v63  }
0x60: {  	_ = 	snop  }
0x61: {  	[tilespmem:s13], [sflag:$0x1] =	stream.indirect.gather [hbm4b:s3+s9], $0x80, s19, s9, $0xb8;
	[tilespmem:$0x10400] =	vst v63  }
0x62: {  	_ = 	snop  }
0x63: {  	[tilespmem:s15], [sflag:$0x1] =	stream.indirect.gather [hbm4b:s3+s9], $0x80, s20, s9, $0xb8;
	[tilespmem:$0x10400] =	vst v63  }
0x64: {  	_ =	swait.ge [sflag:s16], $0x4000  }
0x65: {  	[sflag:s16] =	ssyncset.done $0x0  }
0x66: {  	[sflag:s16] =	ssyncadd.s32 $0xFFFFC000  }
0x67: {  	_ =	swait.ge [sflag:s16], $0x4000  }
0x68: {  	[sflag:s16] =	ssyncset.done $0x0  }
0x69: {  	[sflag:s16] =	ssyncadd.s32 $0xFFFFC000  }
0x6a: {  	_ =	swait.ge [sflag:s16], $0x4000  }
0x6b: {  	[sflag:s16] =	ssyncset.done $0x0  }
0x6c: {  	[sflag:s16] =	ssyncadd.s32 $0xFFFFC000  }
0x6d: {  	_ =	swait.ge [sflag:s16], $0x4000  }
.Ltmp1:
0x6e: {  	[sflag:s16] =	ssyncset.done $0x0;
	(pc) =	sbr.rel @p0 .LBB2_1-.Ltmp1, $4  }
0x6f: {  	[sflag:s16] =	ssyncadd.s32 $0xFFFFC000  }
0x70: {  	[hbm4b:s21+s4] =	stream.linear.scatter [tilespmem:s10], [sflag:$0x2], $0x10000, $0x38;
	[tilespmem:$0x10400] =	vst v63  }
0x71: {  	_ =	swait.ge [sflag:s5], $0x10000  }
0x72: {  	[sflag:s5] =	ssyncset.done $0x0  }
.LBB2_2:
0x73: {  	[sflag:s5] =	ssyncadd.s32 $0xFFFF0000  }
0x74: {  	_ =	sfence.sel $0x180000  }
0x75: {  	[bflag:$0x0] =	sbarrier.arrive $0xFFFF  }
0x76: {  	p0 =	sne.s32 s1, $0x0;
	_ =	strace $0x90000047  }
0x77: {  	s0 =	sadd.s32 @!p0 $0x100000, s0;
	[bflag:$0x2] =	sbarrier.arrive $0xFFFF  }
0x78: {  	[sflag:s0] =	ssyncadd.tile.s32 @!p0 $0x1;
	_ =	shalt  }
.Lfunc_end2:
_tile_overlayer_lowered:
.L_overlay_start_2:
0x79: {  	(tag) =	ssettag $0x2  }
0x7a: {  	s0 =	rddreg [dreg:$0x0];
	s2 =	stileid.u32  }
0x7b: {  	s1 =	rddreg [dreg:$0x1];
	p0 =	sne.s32 s2, $0x0  }
0x7c: {  	s3 =	rddreg [dreg:$0x2];
	[bflag:$0x3] =	sbarrier.arrive $0xFFFF;
	s2 =	simm.s32 @!p0 $0x1C02  }
0x7d: {  	[timem:s3], [sflag:s2] =	dma.local @!p0 [hbm:s0], s1  }
0x7e: {  	s0 =	simm.s32 @!p0 $0x2  }
0x7f: {  	_ =	swait.ge @!p0 [sflag:s0], s1  }
0x80: {  	s1 =	ssub.s32 @!p0 $0x0, s1;
	[sflag:s0] =	ssyncset.done @!p0 $0x0  }
0x81: {  	[sflag:s0] =	ssyncadd.s32 @!p0 s1  }
0x82: {  	[bflag:$0x3] =	sbarrier.arrive $0xFFFF  }
0x83: {  	_ =	shalt  }

// kernel: kernel.8.cloned.1.call-start
scs
__scs_entry_jumppad:
0x0: {  	(pc) =	sbr.rel $0x88, $3  }
0x1: {  	(tag) =	ssettag $0x0;
	lr =	simm.s32 $0x1  }
0x2: {  	[smem:$0x3F9E] =	sst lr;
	_ =	strace $0xD0000000  }
0x3: {  	_ = 	snop  }
0x4: {  	_ = 	snop  }
0x5: {  	_ = 	snop  }
0x6: {  	_ = 	snop  }
0x7: {  	_ = 	snop  }
__scs_overlays_trampoline_lowered:
0x8: {  	[smem:$0x3FAD] =	sst s0  }
0x9: {  	[smem:$0x3FAE] =	sst s1  }
0xa: {  	[smem:$0x3FAF] =	sst s2  }
0xb: {  	[smem:$0x3FB0] =	sst s3  }
0xc: {  	[smem:$0x3FB1] =	sst s4  }
0xd: {  	[smem:$0x3FB2] =	sst s5  }
0xe: {  	[smem:$0x3FB3] =	sst s6  }
0xf: {  	[smem:$0x3FB4] =	sst s7  }
0x10: {  	[smem:$0x3FB5] =	sst s8  }
0x11: {  	[smem:$0x3FB6] =	sst s9;
	s0 =	simm.s32 @!p0 $0x0  }
0x12: {  	s1 =	sld [smem:$0x3F9C];
	s0 =	simm.s32 @p0 $0x1  }
0x13: {  	[smem:$0x3FB7] =	sst s0;
	s0 =	simm.s32 @!p1 $0x0  }
0x14: {  	s2 =	sld [smem:$0x3F9B];
	s0 =	simm.s32 @p1 $0x1  }
0x15: {  	[smem:$0x3FB8] =	sst s0;
	s0 =	simm.s32 @!p2 $0x0  }
0x16: {  	s3 =	sld [smem:$0x3FDB];
	s0 =	simm.s32 @p2 $0x1  }
0x17: {  	s4 =	simm.s32 $0x1BF5;
	[smem:$0x3FBA] =	sst s0  }
0x18: {  	s0 =	sld [smem:$0x3F9D];
	_ =	swait.ge [sflag:s4], $0x0  }
0x19: {  	s7 =	sld [smem:$0x3F9E]  }
0x1a: {  	s8 =	sadd.s32 $0xFFFFE003, lr  }
0x1b: {  	s9 =	sadd.s32 $0xFFFFFEF7, lr;
	s5 =	simm.s32 $0xFFFFFFFF;
	p2 =	slt.u32 s8, $0xFFFFF086  }
0x1c: {  	p1 =	slt.u32 s9, $0xF7A;
	s5 =	simm.s32 @!p2 $0x0  }
0x1d: {  	s5 =	simm.s32 @p1 $0x1;
	p0 =	seq.s32 s7, s2  }
0x1e: {  	s7 =	smul.u32 @!p0 $0xF7A, s2;
	p2 =	seq.s32 @!p0 s5, $0x0  }
0x1f: {  	s9 =	smul.u32 $0xF7A, s1;
	s8 =	simm.s32 @!p0 $0x1BF5;
	p2 =	por !p2, p0  }
0x20: {  	[sflag:s8] =	ssyncset.s32 @!p0 $0xFFFFF086;
	s6 =	sadd.s32 @!p0 s3, s7;
	s7 =	simm.s32 @!p0 $0x108  }
0x21: {  	s3 =	sadd.s32 s3, s9;
	s6 =	sadd.s32 @!p0 $0x88, s6;
	s7 =	simm.s32 @p2 $0x1082  }
0x22: {  	[simem:s7], [sflag:s8] =	dma.local @!p0 [hbm:s6], $0xF7A  }
0x23: {  	s9 =	sor.u32 $0xD0000000, s2;
	s6 =	simm.s32 $0x108;
	_ =	swait.ge @!p0 [sflag:s8], $0x0  }
0x24: {  	s3 =	sadd.s32 $0x88, s3;
	s6 =	simm.s32 @!p1 $0x1082;
	[sflag:s4] =	ssyncset.s32 $0xFFFFF086  }
0x25: {  	[simem:s6], [sflag:s4] =	dma.local [hbm:s3], $0xF7A  }
0x26: {  	[smem:$0x3F9E] =	sst s1;
	(tag) =	ssettag s2;
	_ =	strace s9  }
0x27: {  	s1 =	sld [smem:$0x3FAE]  }
0x28: {  	s2 =	sld [smem:$0x3FAF]  }
0x29: {  	s4 =	sld [smem:$0x3FB1]  }
0x2a: {  	p0 =	seq.s32 s5, $0x0;
	s5 =	sld [smem:$0x3FB2]  }
0x2b: {  	s6 =	sld [smem:$0x3FB3]  }
0x2c: {  	s7 =	sld [smem:$0x3FB4]  }
0x2d: {  	s3 =	simm.s32 $0x108;
	s8 =	sld [smem:$0x3FB5]  }
0x2e: {  	s3 =	simm.s32 @!p0 $0x1082;
	s9 =	sld [smem:$0x3FB6]  }
0x2f: {  	lr =	sadd.s32 s0, s3;
	s0 =	sld [smem:$0x3FAD]  }
0x30: {  	s3 =	sld [smem:$0x3FB0]  }
0x31: {  	[smem:$0x3FB9] =	sst s10  }
0x32: {  	s10 =	sld [smem:$0x3FB7];
	_ =	sdelay $0x3  }
0x33: {  	p0 =	seq.s32 s10, $0x1;
	s10 =	sld [smem:$0x3FB9];
	_ =	sdelay $0x3  }
0x34: {  	[smem:$0x3FB9] =	sst s10  }
0x35: {  	s10 =	sld [smem:$0x3FB8];
	_ =	sdelay $0x3  }
0x36: {  	p1 =	seq.s32 s10, $0x1;
	s10 =	sld [smem:$0x3FB9];
	_ =	sdelay $0x3  }
0x37: {  	[smem:$0x3FB9] =	sst s10  }
0x38: {  	s10 =	sld [smem:$0x3FBA]  }
0x39: {  	_ = 	snop;
	(pc) =	sbr.ind lr, $3  }
0x3a: {  	_ = 	snop  }
0x3b: {  	_ = 	snop  }
0x3c: {  	p2 =	seq.s32 s10, $0x1;
	s10 =	sld [smem:$0x3FB9]  }
0x3d: {  	_ =	shalt  }
0x3e: {  	_ =	shalt  }
0x3f: {  	_ =	shalt  }
0x40: {  	_ =	shalt  }
0x41: {  	_ =	shalt  }
0x42: {  	_ =	shalt  }
0x43: {  	_ =	shalt  }
0x44: {  	_ =	shalt  }
0x45: {  	_ =	shalt  }
0x46: {  	_ =	shalt  }
0x47: {  	_ =	shalt  }
0x48: {  	_ =	shalt  }
0x49: {  	_ =	shalt  }
0x4a: {  	_ =	shalt  }
0x4b: {  	_ =	shalt  }
0x4c: {  	_ =	shalt  }
0x4d: {  	_ =	shalt  }
0x4e: {  	_ =	shalt  }
0x4f: {  	_ =	shalt  }
0x50: {  	_ =	shalt  }
0x51: {  	_ =	shalt  }
0x52: {  	_ =	shalt  }
0x53: {  	_ =	shalt  }
0x54: {  	_ =	shalt  }
0x55: {  	_ =	shalt  }
0x56: {  	_ =	shalt  }
0x57: {  	_ =	shalt  }
0x58: {  	_ =	shalt  }
0x59: {  	_ =	shalt  }
0x5a: {  	_ =	shalt  }
0x5b: {  	_ =	shalt  }
0x5c: {  	_ =	shalt  }
0x5d: {  	_ =	shalt  }
0x5e: {  	_ =	shalt  }
0x5f: {  	_ =	shalt  }
0x60: {  	_ =	shalt  }
0x61: {  	_ =	shalt  }
0x62: {  	_ =	shalt  }
0x63: {  	_ =	shalt  }
0x64: {  	_ =	shalt  }
0x65: {  	_ =	shalt  }
0x66: {  	_ =	shalt  }
0x67: {  	_ =	shalt  }
0x68: {  	_ =	shalt  }
0x69: {  	_ =	shalt  }
0x6a: {  	_ =	shalt  }
0x6b: {  	_ =	shalt  }
0x6c: {  	_ =	shalt  }
0x6d: {  	_ =	shalt  }
0x6e: {  	_ =	shalt  }
0x6f: {  	_ =	shalt  }
0x70: {  	_ =	shalt  }
0x71: {  	_ =	shalt  }
0x72: {  	_ =	shalt  }
0x73: {  	_ =	shalt  }
0x74: {  	_ =	shalt  }
0x75: {  	_ =	shalt  }
0x76: {  	_ =	shalt  }
0x77: {  	_ =	shalt  }
0x78: {  	_ =	shalt  }
0x79: {  	_ =	shalt  }
0x7a: {  	_ =	shalt  }
0x7b: {  	_ =	shalt  }
0x7c: {  	_ =	shalt  }
0x7d: {  	_ =	shalt  }
0x7e: {  	_ =	shalt  }
0x7f: {  	_ =	shalt  }
0x80: {  	_ =	shalt  }
0x81: {  	_ =	shalt  }
0x82: {  	_ =	shalt  }
0x83: {  	_ =	shalt  }
0x84: {  	_ =	shalt  }
0x85: {  	_ =	shalt  }
0x86: {  	_ =	shalt  }
0x87: {  	_ =	shalt  }
.Lfunc_end0:
.L_simem_size_0:
called_computation.1_lowered:
.L_overlay_start_0:
0x88: {  	s2 =	sld [smem:$0x3FD9]  }
0x89: {  	s3 =	sld [smem:$0x3FFE];
	_ =	sdelay $0x1  }
0x8a: {  	s1 =	srdreg.scid  }
0x8b: {  	s0 =	sand.u32 $0x1, s1  }
0x8c: {  	s17 =	sshll.u32 s0, $0xA;
	s2 =	sadd.s32 s3, s2  }
0x8d: {  	s2 =	sadd.s32 s2, s17  }
0x8e: {  	[smem:$0x3FC5] =	sst s2  }
0x8f: {  	_ = 	snop  }
0x90: {  	s2 =	sld [smem:$0x3FD0];
	(tm) =	ssettm $0x1  }
0x91: {  	s18 =	sld [smem:$0x3FFB];
	_ =	sdelay $0x3  }
0x92: {  	_ =	strace s18  }
0x93: {  	s3 =	sld [smem:$0x3FFC];
	_ =	sdelay $0x3  }
0x94: {  	_ =	strace s3  }
0x95: {  	s3 =	sld [smem:$0x3FFD];
	_ =	sdelay $0x3  }
0x96: {  	_ =	strace s3  }
0x97: {  	_ =	strace $0x8FFFFFFF  }
0x98: {  	s19 =	sld [smem:$0x3FDB];
	_ =	sdelay $0x1  }
0x99: {  	s4 =	simm.s32 $_scs_section_size  }
0x9a: {  	s5 =	simm.s32 $_size__tile_overlayer_lowered;
	s6 =	simm.s32 $_tile_overlayer_lowered  }
0x9b: {  	s22 =	simm.s32 $0x1BFF;
	s21 =	sshll.u32 s6, $0x1;
	s3 =	sadd.s32 s4, s19  }
0x9c: {  	s7 =	simm.s32 $0x0;
	s20 =	sshll.u32 s5, $0x1;
	s5 =	sadd.s32 s21, s3  }
0x9d: {  	[timem:s7], [sflag:s22] =	dma.local [hbm:s5], s20  }
0x9e: {  	_ =	swait.ge [sflag:s22], s20  }
0x9f: {  	s4 =	ssub.s32 $0x0, s20;
	[sflag:s22] =	ssyncset.done $0x0  }
0xa0: {  	[sflag:s22] =	ssyncadd.s32 s4;
	_ =	sdelay $0x1  }
0xa1: {  	s23 =	simm.s32 $0x1B8B  }
0xa2: {  	_ =	swait.ge [sflag:s23], $0x1  }
0xa3: {  	[sflag:s23] =	ssyncset.done $0x0  }
0xa4: {  	s25 =	simm.s32 $0x1B8E;
	s24 =	sld [smem:$0x3FFE];
	[sflag:s23] =	ssyncadd.s32 $0xFFFFFFFF  }
0xa5: {  	s26 =	simm.s32 $execute0_lowered;
	[smem:$0x3FD2] =	sst s25  }
0xa6: {  	s5 =	sshll.u32 s26, $0x1;
	_ =	strace $0x80000049;
	[dreg:$0x1] =	wrdreg $0xFFFFFFFF  }
0xa7: {  	s28 =	simm.s32 $_size_execute0_lowered;
	s3 =	sadd.s32 s3, s5;
	[dreg:$0x0] =	wrdreg $0x0  }
0xa8: {  	s5 =	sshll.u32 s28, $0x1;
	[dreg:$0x2] =	wrdreg s3  }
0xa9: {  	[dreg:$0x3] =	wrdreg s5  }
0xaa: {  	[dreg:$0x4] =	wrdreg $0xC0  }
0xab: {  	_ =	task [dreg:s7], $0x5FFFF  }
0xac: {  	[dreg:$0x1] =	wrdreg $0xFFFFFFFF  }
0xad: {  	[dreg:$0x0] =	wrdreg $0x60  }
0xae: {  	[dreg:$0x2] =	wrdreg s24  }
0xaf: {  	[dreg:$0x3] =	wrdreg s2  }
0xb0: {  	[dreg:$0x4] =	wrdreg $0x9  }
0xb1: {  	_ =	task.clear_ibuf [dreg:s7], $0x5FFFF;
	_ =	strace $0x90000049  }
0xb2: {  	s29 =	simm.s32 $0x9;
	_ =	strace $0x8000004B  }
0xb3: {  	_ =	swait.ge [sflag:s29], $0x1  }
0xb4: {  	[sflag:s29] =	ssyncadd.s32 $0xFFFFFFFF  }
0xb5: {  	_ =	strace $0x9000004B  }
0xb6: {  	_ =	sfence  }
0xb7: {  	s30 =	sld [smem:$0x0];
	_ =	sdelay $0x2  }
0xb8: {  	s31 =	sshll.u32 s1, $0xD;
	s1 =	sshrl.u32 s1, $0x2  }
0xb9: {  	s3 =	sand.u32 $0x4000, s31;
	s1 =	sadd.s32 s1, s30  }
0xba: {  	s0 =	sor.u32 s3, s0;
	s1 =	sshll.u32 s1, $0x11  }
0xbb: {  	s0 =	sor.u32 s1, s0  }
0xbc: {  	s0 =	sadd.s32 $0x8F2B, s0  }
0xbd: {  	[sflag:s0] =	ssyncadd.remote.s32 $0x1  }
0xbe: {  	_ =	sfence.sel $0xFFFF  }
0xbf: {  	[dreg:$0x0] =	wrdreg $0xFFFFFFFF;
	(pc) =	sbr.abs _section_cstart, $3  }
0xc0: {  	[dreg:$0x1] =	wrdreg $0xFFFFFFFF  }
0xc1: {  	_ =	task.clear_ibuf [dreg:s7], $0x2FFFF;
	_ =	strace $0x9FFFFFFF  }
0xc2: {  	(tm) =	ssettm $0x7FFFFFFF  }
0xc3: {  	_ =	shalt  }
tec
execute0_lowered:
.L_overlay_start_1:
0x0: {  	(tag) =	ssettag $0x1  }
0x1: {  	s1 =	srdreg.scid  }
0x2: {  	s8 =	rddreg [dreg:$0x0];
	s0 =	stileid.u32;
	s20 =	sand.u32 $0x1, s1  }
0x3: {  	s2 =	rddreg [dreg:$0x1];
	s4 =	sshll.u32 s0, $0x7;
	s5 =	sshll.u32 s20, $0x6  }
0x4: {  	s3 =	simm.s32 $0x0;
	s1 =	rddreg [dreg:$0x2];
	s4 =	sor.u32 s5, s4  }
0x5: {  	[smem:$0x7FF] =	sst s3;
	s6 =	sadd.s32 s4, s8  }
0x6: {  	_ =	strace $0x8000004A;
	s5 =	simm.s32 $0x2;
	s4 =	sadd.s32 $0x81400, s6  }
0x7: {  	[tilespmem:s3], [sflag:$0x2] =	stream.linear.gather [hbm4b:s4+s3], $0x200, $0x38;
	[tilespmem:$0x10400] =	vst v63  }
0x8: {  	_ =	swait.ge [sflag:s5], $0x200  }
0x9: {  	[sflag:s5] =	ssyncset.done $0x0  }
0xa: {  	s7 =	simm.s32 $0x200;
	s6 =	sadd.s32 $0x800, s6;
	[sflag:s5] =	ssyncadd.s32 $0xFFFFFE00  }
0xb: {  	[tilespmem:s7], [sflag:$0x2] =	stream.linear.gather [hbm4b:s6+s3], $0x200, $0x38;
	[tilespmem:$0x10400] =	vst v63  }
0xc: {  	_ =	swait.ge [sflag:s5], $0x200  }
0xd: {  	s9 =	simm.s32 $0x80;
	[sflag:s5] =	ssyncset.done $0x0  }
0xe: {  	s10 =	simm.s32 $0x400;
	s8 =	sadd.s32 $0x1000, s8;
	[sflag:s5] =	ssyncadd.s32 $0xFFFFFE00  }
0xf: {  	[tilespmem:s10], [sflag:$0x1] =	stream.indirect.gather [hbm4b:s8+s9], $0x80, s3, s9, $0xb8;
	[tilespmem:$0x10400] =	vst v63  }
0x10: {  	s11 =	simm.s32 $0x4400  }
0x11: {  	[tilespmem:s11], [sflag:$0x1] =	stream.indirect.gather [hbm4b:s8+s9], $0x80, s9, s9, $0xb8;
	[tilespmem:$0x10400] =	vst v63  }
0x12: {  	s12 =	simm.s32 $0x100;
	s13 =	simm.s32 $0x8400  }
0x13: {  	[tilespmem:s13], [sflag:$0x1] =	stream.indirect.gather [hbm4b:s8+s9], $0x80, s12, s9, $0xb8;
	[tilespmem:$0x10400] =	vst v63  }
0x14: {  	s14 =	simm.s32 $0x180;
	s16 =	simm.s32 $0xC400;
	s15 =	simm.s32 $0x1  }
0x15: {  	[tilespmem:s16], [sflag:$0x1] =	stream.indirect.gather [hbm4b:s8+s9], $0x80, s14, s9, $0xb8;
	[tilespmem:$0x10400] =	vst v63  }
0x16: {  	_ =	swait.ge [sflag:s15], $0x4000  }
0x17: {  	[sflag:s15] =	ssyncset.done $0x0  }
0x18: {  	[sflag:s15] =	ssyncadd.s32 $0xFFFFC000  }
0x19: {  	_ =	swait.ge [sflag:s15], $0x4000  }
0x1a: {  	[sflag:s15] =	ssyncset.done $0x0  }
0x1b: {  	[sflag:s15] =	ssyncadd.s32 $0xFFFFC000  }
0x1c: {  	_ =	swait.ge [sflag:s15], $0x4000  }
0x1d: {  	[sflag:s15] =	ssyncset.done $0x0  }
0x1e: {  	[sflag:s15] =	ssyncadd.s32 $0xFFFFC000  }
0x1f: {  	_ =	swait.ge [sflag:s15], $0x4000  }
0x20: {  	[sflag:s15] =	ssyncset.done $0x0  }
0x21: {  	[sflag:s15] =	ssyncadd.s32 $0xFFFFC000  }
0x22: {  	[hbm4b:s2+s9] =	stream.indirect.scatter [tilespmem:s10], [sflag:$0x1], $0x80, s7, s9, $0xb8;
	[tilespmem:$0x10400] =	vst v63  }
0x23: {  	s17 =	simm.s32 $0x280  }
0x24: {  	[hbm4b:s2+s9] =	stream.indirect.scatter [tilespmem:s11], [sflag:$0x1], $0x80, s17, s9, $0xb8;
	[tilespmem:$0x10400] =	vst v63  }
0x25: {  	s18 =	simm.s32 $0x300  }
0x26: {  	[hbm4b:s2+s9] =	stream.indirect.scatter [tilespmem:s13], [sflag:$0x1], $0x80, s18, s9, $0xb8;
	[tilespmem:$0x10400] =	vst v63  }
0x27: {  	s19 =	simm.s32 $0x380  }
0x28: {  	[hbm4b:s2+s9] =	stream.indirect.scatter [tilespmem:s16], [sflag:$0x1], $0x80, s19, s9, $0xb8;
	[tilespmem:$0x10400] =	vst v63  }
0x29: {  	_ =	swait.ge [sflag:s15], $0x4000  }
0x2a: {  	s20 =	ssub.s32 $0x2, s20;
	[sflag:s15] =	ssyncset.done $0x0  }
0x2b: {  	s21 =	sshrl.u32 s20, $0x1;
	[sflag:s15] =	ssyncadd.s32 $0xFFFFC000  }
0x2c: {  	s20 =	ssub.s32 s20, s21;
	_ =	swait.ge [sflag:s15], $0x4000  }
0x2d: {  	s20 =	smax.u32 s20, $0x1;
	[sflag:s15] =	ssyncset.done $0x0  }
0x2e: {  	p0 =	sne.s32 s20, $0x1;
	[sflag:s15] =	ssyncadd.s32 $0xFFFFC000  }
.Ltmp0:
0x2f: {  	_ =	swait.ge [sflag:s15], $0x4000;
	(pc) =	sbr.rel @!p0 .LBB2_2-.Ltmp0, $4  }
0x30: {  	[sflag:s15] =	ssyncset.done $0x0  }
0x31: {  	[sflag:s15] =	ssyncadd.s32 $0xFFFFC000  }
0x32: {  	_ =	swait.ge [sflag:s15], $0x4000  }
0x33: {  	s20 =	sadd.s32 $0xFFFFFFFF, s20;
	[sflag:s15] =	ssyncset.done $0x0  }
.LBB2_1:
0x34: {  	p0 =	sne.s32 s20, $0x1;
	s20 =	sadd.s32 $0xFFFFFFFF, s20;
	[sflag:s15] =	ssyncadd.s32 $0xFFFFC000  }
0x35: {  	[tilespmem:s3], [sflag:$0x2] =	stream.linear.gather [hbm4b:s4+s3], $0x200, $0x38;
	[tilespmem:$0x10400] =	vst v63  }
0x36: {  	_ =	swait.ge [sflag:s5], $0x200  }
0x37: {  	[sflag:s5] =	ssyncset.done $0x0  }
0x38: {  	[sflag:s5] =	ssyncadd.s32 $0xFFFFFE00  }
0x39: {  	[tilespmem:s7], [sflag:$0x2] =	stream.linear.gather [hbm4b:s6+s3], $0x200, $0x38;
	[tilespmem:$0x10400] =	vst v63  }
0x3a: {  	_ =	swait.ge [sflag:s5], $0x200  }
0x3b: {  	[sflag:s5] =	ssyncset.done $0x0  }
0x3c: {  	[sflag:s5] =	ssyncadd.s32 $0xFFFFFE00  }
0x3d: {  	[tilespmem:s10], [sflag:$0x1] =	stream.indirect.gather [hbm4b:s8+s9], $0x80, s3, s9, $0xb8;
	[tilespmem:$0x10400] =	vst v63  }
0x3e: {  	_ = 	snop  }
0x3f: {  	[tilespmem:s11], [sflag:$0x1] =	stream.indirect.gather [hbm4b:s8+s9], $0x80, s9, s9, $0xb8;
	[tilespmem:$0x10400] =	vst v63  }
0x40: {  	_ = 	snop  }
0x41: {  	[tilespmem:s13], [sflag:$0x1] =	stream.indirect.gather [hbm4b:s8+s9], $0x80, s12, s9, $0xb8;
	[tilespmem:$0x10400] =	vst v63  }
0x42: {  	_ = 	snop  }
0x43: {  	[tilespmem:s16], [sflag:$0x1] =	stream.indirect.gather [hbm4b:s8+s9], $0x80, s14, s9, $0xb8;
	[tilespmem:$0x10400] =	vst v63  }
0x44: {  	_ =	swait.ge [sflag:s15], $0x4000  }
0x45: {  	[sflag:s15] =	ssyncset.done $0x0  }
0x46: {  	[sflag:s15] =	ssyncadd.s32 $0xFFFFC000  }
0x47: {  	_ =	swait.ge [sflag:s15], $0x4000  }
0x48: {  	[sflag:s15] =	ssyncset.done $0x0  }
0x49: {  	[sflag:s15] =	ssyncadd.s32 $0xFFFFC000  }
0x4a: {  	_ =	swait.ge [sflag:s15], $0x4000  }
0x4b: {  	[sflag:s15] =	ssyncset.done $0x0  }
0x4c: {  	[sflag:s15] =	ssyncadd.s32 $0xFFFFC000  }
0x4d: {  	_ =	swait.ge [sflag:s15], $0x4000  }
0x4e: {  	[sflag:s15] =	ssyncset.done $0x0  }
0x4f: {  	[sflag:s15] =	ssyncadd.s32 $0xFFFFC000  }
0x50: {  	[hbm4b:s2+s9] =	stream.indirect.scatter [tilespmem:s10], [sflag:$0x1], $0x80, s7, s9, $0xb8;
	[tilespmem:$0x10400] =	vst v63  }
0x51: {  	_ = 	snop  }
0x52: {  	[hbm4b:s2+s9] =	stream.indirect.scatter [tilespmem:s11], [sflag:$0x1], $0x80, s17, s9, $0xb8;
	[tilespmem:$0x10400] =	vst v63  }
0x53: {  	_ = 	snop  }
0x54: {  	[hbm4b:s2+s9] =	stream.indirect.scatter [tilespmem:s13], [sflag:$0x1], $0x80, s18, s9, $0xb8;
	[tilespmem:$0x10400] =	vst v63  }
0x55: {  	_ = 	snop  }
0x56: {  	[hbm4b:s2+s9] =	stream.indirect.scatter [tilespmem:s16], [sflag:$0x1], $0x80, s19, s9, $0xb8;
	[tilespmem:$0x10400] =	vst v63  }
0x57: {  	_ =	swait.ge [sflag:s15], $0x4000  }
0x58: {  	[sflag:s15] =	ssyncset.done $0x0  }
0x59: {  	[sflag:s15] =	ssyncadd.s32 $0xFFFFC000  }
0x5a: {  	_ =	swait.ge [sflag:s15], $0x4000  }
0x5b: {  	[sflag:s15] =	ssyncset.done $0x0  }
0x5c: {  	[sflag:s15] =	ssyncadd.s32 $0xFFFFC000  }
.Ltmp1:
0x5d: {  	_ =	swait.ge [sflag:s15], $0x4000;
	(pc) =	sbr.rel @p0 .LBB2_1-.Ltmp1, $4  }
0x5e: {  	[sflag:s15] =	ssyncset.done $0x0  }
0x5f: {  	[sflag:s15] =	ssyncadd.s32 $0xFFFFC000  }
0x60: {  	_ =	swait.ge [sflag:s15], $0x4000  }
0x61: {  	[sflag:s15] =	ssyncset.done $0x0  }
.LBB2_2:
0x62: {  	[sflag:s15] =	ssyncadd.s32 $0xFFFFC000  }
0x63: {  	_ =	sfence.sel $0x180000  }
0x64: {  	[bflag:$0x0] =	sbarrier.arrive $0xFFFF  }
0x65: {  	p0 =	sne.s32 s0, $0x0;
	_ =	strace $0x9000004A  }
0x66: {  	s0 =	sadd.s32 @!p0 $0x100000, s1;
	[bflag:$0x2] =	sbarrier.arrive $0xFFFF  }
0x67: {  	[sflag:s0] =	ssyncadd.tile.s32 @!p0 $0x1;
	_ =	shalt  }
.Lfunc_end2:
_tile_overlayer_lowered:
.L_overlay_start_2:
0x68: {  	(tag) =	ssettag $0x2  }
0x69: {  	s0 =	rddreg [dreg:$0x0];
	s2 =	stileid.u32  }
0x6a: {  	s1 =	rddreg [dreg:$0x1];
	p0 =	sne.s32 s2, $0x0  }
0x6b: {  	s3 =	rddreg [dreg:$0x2];
	[bflag:$0x3] =	sbarrier.arrive $0xFFFF;
	s2 =	simm.s32 @!p0 $0x1C02  }
0x6c: {  	[timem:s3], [sflag:s2] =	dma.local @!p0 [hbm:s0], s1  }
0x6d: {  	s0 =	simm.s32 @!p0 $0x2  }
0x6e: {  	_ =	swait.ge @!p0 [sflag:s0], s1  }
0x6f: {  	s1 =	ssub.s32 @!p0 $0x0, s1;
	[sflag:s0] =	ssyncset.done @!p0 $0x0  }
0x70: {  	[sflag:s0] =	ssyncadd.s32 @!p0 s1  }
0x71: {  	[bflag:$0x3] =	sbarrier.arrive $0xFFFF  }
0x72: {  	_ =	shalt  }

</sc_bundles>
